<compile_context>
chip_gen: v7x
topology: tpu7x:2x2x1
jax: 0.10.2.dev20260603
libtpu: 0.0.44.dev20260713+nightly
codegen_flags: <defaults>
</compile_context>

<pallas_src>
import jax
import jax.numpy as jnp
from jax import lax
from jax.experimental import pallas as pl
from jax.experimental.pallas import tpu as pltpu
from jax.experimental.pallas import tpu_sc as plsc

N_REAL = 10000
N_PAD = 10240
D = 128
NC, NS = 2, 16
NW = NC * NS
CHUNK = 128
CH = 79
ROWS_PER_TILE = N_PAD // NS
TRASH = 10000
BM = 1024

_mesh = plsc.VectorSubcoreMesh(core_axis_name="c", subcore_axis_name="s")


def _deg_body(dsts_hbm, zeros_hbm, ones_hbm, out_hbm, dst_v, ones_v, shared):
    c = lax.axis_index("c")
    s = lax.axis_index("s")
    base = s * ROWS_PER_TILE
    pltpu.sync_copy(zeros_hbm.at[pl.ds(base, ROWS_PER_TILE)],
                    shared.at[pl.ds(base, ROWS_PER_TILE)])
    pltpu.sync_copy(ones_hbm, ones_v)
    pltpu.sync_copy(dsts_hbm.at[c, s], dst_v)
    plsc.subcore_barrier()

    def chunk(j, carry):
        pltpu.sync_copy(ones_v, shared.at[dst_v.at[j]], add=True)
        return carry

    lax.fori_loop(0, CH, chunk, 0)
    plsc.subcore_barrier()
    pltpu.sync_copy(shared.at[pl.ds(base, ROWS_PER_TILE)],
                    out_hbm.at[c, pl.ds(base, ROWS_PER_TILE)])


_deg = pl.kernel(
    _deg_body,
    out_type=jax.ShapeDtypeStruct((NC, N_PAD, D), jnp.float32),
    mesh=_mesh,
    scratch_types=[
        pltpu.VMEM((CH, CHUNK), jnp.int32),
        pltpu.VMEM((CHUNK, D), jnp.float32),
        pltpu.VMEM_SHARED((N_PAD, D), jnp.float32),
    ],
)


def _agg_body(g_hbm, srcs_hbm, dsts_hbm, zeros_hbm, out_hbm,
              src_v, dst_v, rows_v, shared, gsem):
    c = lax.axis_index("c")
    s = lax.axis_index("s")
    base = s * ROWS_PER_TILE
    pltpu.sync_copy(zeros_hbm.at[pl.ds(base, ROWS_PER_TILE)],
                    shared.at[pl.ds(base, ROWS_PER_TILE)])
    pltpu.sync_copy(srcs_hbm.at[c, s], src_v)
    pltpu.sync_copy(dsts_hbm.at[c, s], dst_v)
    plsc.subcore_barrier()

    def chunk(j, carry):
        pltpu.async_copy(g_hbm.at[src_v.at[j]], rows_v, gsem).wait()
        pltpu.sync_copy(rows_v, shared.at[dst_v.at[j]], add=True)
        return carry

    lax.fori_loop(0, CH, chunk, 0)
    plsc.subcore_barrier()
    pltpu.sync_copy(shared.at[pl.ds(base, ROWS_PER_TILE)],
                    out_hbm.at[c, pl.ds(base, ROWS_PER_TILE)])


_agg = pl.kernel(
    _agg_body,
    out_type=jax.ShapeDtypeStruct((NC, N_PAD, D), jnp.float32),
    mesh=_mesh,
    scratch_types=[
        pltpu.VMEM((CH, CHUNK), jnp.int32),
        pltpu.VMEM((CH, CHUNK), jnp.int32),
        pltpu.VMEM((CHUNK, D), jnp.float32),
        pltpu.VMEM_SHARED((N_PAD, D), jnp.float32),
        pltpu.SemaphoreType.DMA,
    ],
)


def _dis_of(dp_ref):
    deg = dp_ref[0, :, 0:1] + dp_ref[1, :, 0:1] + 1.0
    return lax.rsqrt(deg)


def _mm1_body(dp_ref, x_ref, w_ref, o_ref):
    h = jnp.dot(x_ref[...], w_ref[...], preferred_element_type=jnp.float32)
    o_ref[...] = h * _dis_of(dp_ref)


_mm1 = pl.pallas_call(
    _mm1_body,
    grid=(N_PAD // BM,),
    in_specs=[
        pl.BlockSpec((2, BM, D), lambda i: (0, i, 0)),
        pl.BlockSpec((BM, D), lambda i: (i, 0)),
        pl.BlockSpec((D, D), lambda i: (0, 0)),
    ],
    out_specs=pl.BlockSpec((BM, D), lambda i: (i, 0)),
    out_shape=jax.ShapeDtypeStruct((N_PAD, D), jnp.float32),
)


def _mm2_body(dp_ref, s_ref, g_ref, b_ref, w_ref, o_ref):
    dis = _dis_of(dp_ref)
    z = jnp.maximum(dis * (s_ref[0] + s_ref[1] + g_ref[...]) + b_ref[...], 0.0)
    o_ref[...] = dis * jnp.dot(z, w_ref[...], preferred_element_type=jnp.float32)


_mm2 = pl.pallas_call(
    _mm2_body,
    grid=(N_PAD // BM,),
    in_specs=[
        pl.BlockSpec((2, BM, D), lambda i: (0, i, 0)),
        pl.BlockSpec((2, BM, D), lambda i: (0, i, 0)),
        pl.BlockSpec((BM, D), lambda i: (i, 0)),
        pl.BlockSpec((1, D), lambda i: (0, 0)),
        pl.BlockSpec((D, D), lambda i: (0, 0)),
    ],
    out_specs=pl.BlockSpec((BM, D), lambda i: (i, 0)),
    out_shape=jax.ShapeDtypeStruct((N_PAD, D), jnp.float32),
)


def _fin_body(dp_ref, s_ref, g_ref, b_ref, o_ref):
    dis = _dis_of(dp_ref)
    o_ref[...] = jnp.maximum(
        dis * (s_ref[0] + s_ref[1] + g_ref[...]) + b_ref[...], 0.0)


_fin = pl.pallas_call(
    _fin_body,
    grid=(N_PAD // BM,),
    in_specs=[
        pl.BlockSpec((2, BM, D), lambda i: (0, i, 0)),
        pl.BlockSpec((2, BM, D), lambda i: (0, i, 0)),
        pl.BlockSpec((BM, D), lambda i: (i, 0)),
        pl.BlockSpec((1, D), lambda i: (0, 0)),
    ],
    out_specs=pl.BlockSpec((BM, D), lambda i: (i, 0)),
    out_shape=jax.ShapeDtypeStruct((N_PAD, D), jnp.float32),
)


@jax.jit
def kernel(x, edge_index, W1, b1, W2, b2):
    src = edge_index[0].astype(jnp.int32)
    dst = edge_index[1].astype(jnp.int32)
    e = src.shape[0]
    cap = NW * CH * CHUNK
    pad = cap - e
    src_p = jnp.concatenate([src, jnp.zeros((pad,), jnp.int32)])
    dst_p = jnp.concatenate([dst, jnp.full((pad,), TRASH, jnp.int32)])
    srcs = src_p.reshape(NC, NS, CH, CHUNK)
    dsts = dst_p.reshape(NC, NS, CH, CHUNK)
    xp = jnp.pad(x, ((0, N_PAD - x.shape[0]), (0, 0)))
    zeros = jnp.zeros((N_PAD, D), jnp.float32)
    ones = jnp.ones((CHUNK, D), jnp.float32)
    b1r = b1.reshape(1, D)
    b2r = b2.reshape(1, D)

    degp = _deg(dsts, zeros, ones)
    g1 = _mm1(degp, xp, W1)
    s1 = _agg(g1, srcs, dsts, zeros)
    g2 = _mm2(degp, s1, g1, b1r, W2)
    s2 = _agg(g2, srcs, dsts, zeros)
    out = _fin(degp, s2, g2, b2r)
    return out[:N_REAL]

# --- scband reference (transcript-rebuilt; emitter-appended) ---
"""Pipeline reference for scband-gcn-body-86998857548309 (READ-ONLY COPY).

The authoritative reference and input builder live on the scoring server;
editing this copy changes nothing except your own understanding.
"""

import jax, jax.numpy as jnp
import numpy as np

N_NODES = 10000
NFEAT = 128
NHID = 128


def setup_inputs(seed: int = 0) -> dict:
    key = jax.random.key(seed)
    k_x, k_e, k_w1, k_b1, k_w2, k_b2 = (jax.random.fold_in(key, i) for i in range(6))
    x = jax.random.normal(k_x, (N_NODES, NFEAT), dtype=jnp.float32)
    edge_index = jax.random.randint(k_e, (2, 320000), 0, N_NODES, dtype=jnp.int64)
    W1 = jax.random.normal(k_w1, (NFEAT, NHID), dtype=jnp.float32) * 0.05
    b1 = jnp.zeros((NHID,), dtype=jnp.float32)
    W2 = jax.random.normal(k_w2, (NHID, NHID), dtype=jnp.float32) * 0.05
    b2 = jnp.zeros((NHID,), dtype=jnp.float32)
    return {"x": x, "edge_index": edge_index, "W1": W1, "b1": b1, "W2": W2, "b2": b2}


def _gcn_conv(x, src, dst, W, b, num_nodes):
    # PyG GCNConv with add_self_loops=True, normalize=True, edge_weight=None (all ones)
    loop = jnp.arange(num_nodes, dtype=src.dtype)
    src_f = jnp.concatenate([src, loop])
    dst_f = jnp.concatenate([dst, loop])
    ew = jnp.ones(src_f.shape[0], dtype=x.dtype)
    deg = jnp.zeros((num_nodes,), dtype=x.dtype).at[dst_f].add(ew)
    deg_inv_sqrt = jnp.where(deg > 0, jax.lax.rsqrt(jnp.maximum(deg, 1e-12)), 0.0)
    norm = deg_inv_sqrt[src_f] * deg_inv_sqrt[dst_f]
    h = x @ W
    msg = jnp.take(h, src_f, axis=0) * norm[:, None]
    out = jnp.zeros((num_nodes, W.shape[1]), dtype=x.dtype).at[dst_f].add(msg)
    return out + b


def reference(x, edge_index, W1, b1, W2, b2):
    # GCN_body.forward with layer=2, layer_norm_first=False, use_ln=False,
    # dropout inactive (eval mode).
    src = edge_index[0]
    dst = edge_index[1]
    h = _gcn_conv(x, src, dst, W1, b1, N_NODES)
    h = jax.nn.relu(h)
    h = _gcn_conv(h, src, dst, W2, b2, N_NODES)
    h = jax.nn.relu(h)
    return h

if __name__ == "__main__":
    import jax
    _d = setup_inputs()
    print(jax.jit(kernel)(*tuple(_d.values())))

</pallas_src>

<mosaic_0001>
#map = affine_map<(d0, d1) -> (0, 0, 0, 0)>
#map1 = affine_map<(d0, d1) -> (0, 0)>
#map2 = affine_map<(d0, d1) -> (0, 0, 0)>
module attributes {stable_mosaic.version = 14 : i64} {
  func.func @_deg_body(%arg0: i32, %arg1: i32, %arg2: memref<2x16x79x128xi32, #tpu.memory_space<hbm>>, %arg3: memref<10240x128xf32, #tpu.memory_space<hbm>>, %arg4: memref<128x128xf32, #tpu.memory_space<hbm>>, %arg5: memref<2x10240x128xf32, #tpu.memory_space<hbm>>, %arg6: memref<79x128xi32, #tpu.memory_space<vmem>>, %arg7: memref<128x128xf32, #tpu.memory_space<vmem>>, %arg8: memref<10240x128xf32, #tpu.memory_space<vmem_shared>>) attributes {dimension_semantics = [#tpu.dimension_semantics<core_parallel>, #tpu.dimension_semantics<subcore_parallel>], iteration_bounds = array<i64: 2, 16>, scalar_prefetch = 0 : i64, scratch_operands = 3 : i64, tpu.core_type = #tpu.core_type<sc_vector_subcore>, window_params = [{transform_indices = #map}, {transform_indices = #map1}, {transform_indices = #map1}, {transform_indices = #map2}]} {
    %mul3A = arith.constant 640 : i32
    %mul3A_0 = arith.muli %arg1, %mul3A : i32
    "tpu.region"() ({
      %run_scoped3A = tpu.sem_alloc : memref<!tpu.dma_semaphore, #tpu.memory_space<semaphore_mem>>
      %dma_start3A = arith.constant 0 : i32
      %dma_start3A_7 = tpu.memref_slice %arg8[%mul3A_0, %dma_start3A] : memref<10240x128xf32, #tpu.memory_space<vmem_shared>> -> memref<640x128xf32, #tpu.memory_space<vmem_shared>>
      %dma_start3A_8 = arith.constant 0 : i32
      %dma_start3A_9 = tpu.memref_slice %arg3[%mul3A_0, %dma_start3A_8] : memref<10240x128xf32, #tpu.memory_space<hbm>> -> memref<640x128xf32, #tpu.memory_space<hbm>>
      tpu.enqueue_dma source(%dma_start3A_9 : memref<640x128xf32, #tpu.memory_space<hbm>>) target(%dma_start3A_7 : memref<640x128xf32, #tpu.memory_space<vmem_shared>>) target_semaphore(%run_scoped3A : memref<!tpu.dma_semaphore, #tpu.memory_space<semaphore_mem>>)
      %dma_wait3A = arith.constant 0 : i32
      %dma_wait3A_10 = tpu.memref_slice %arg8[%mul3A_0, %dma_wait3A] : memref<10240x128xf32, #tpu.memory_space<vmem_shared>> -> memref<640x128xf32, #tpu.memory_space<vmem_shared>>
      %dma_wait3A_11 = arith.constant 0 : i32
      %dma_wait3A_12 = tpu.memref_slice %arg3[%mul3A_0, %dma_wait3A_11] : memref<10240x128xf32, #tpu.memory_space<hbm>> -> memref<640x128xf32, #tpu.memory_space<hbm>>
      tpu.wait_dma2 semaphore(%run_scoped3A : memref<!tpu.dma_semaphore, #tpu.memory_space<semaphore_mem>>) src(%dma_wait3A_12 : memref<640x128xf32, #tpu.memory_space<hbm>>) dst(%dma_wait3A_10 : memref<640x128xf32, #tpu.memory_space<vmem_shared>>)
      tpu.yield
    }) : () -> ()
    "tpu.region"() ({
      %run_scoped3A = tpu.sem_alloc : memref<!tpu.dma_semaphore, #tpu.memory_space<semaphore_mem>>
      tpu.enqueue_dma source(%arg4 : memref<128x128xf32, #tpu.memory_space<hbm>>) target(%arg7 : memref<128x128xf32, #tpu.memory_space<vmem>>) target_semaphore(%run_scoped3A : memref<!tpu.dma_semaphore, #tpu.memory_space<semaphore_mem>>)
      tpu.wait_dma2 semaphore(%run_scoped3A : memref<!tpu.dma_semaphore, #tpu.memory_space<semaphore_mem>>) src(%arg4 : memref<128x128xf32, #tpu.memory_space<hbm>>) dst(%arg7 : memref<128x128xf32, #tpu.memory_space<vmem>>)
      tpu.yield
    }) : () -> ()
    "tpu.region"() ({
      %run_scoped3A = tpu.sem_alloc : memref<!tpu.dma_semaphore, #tpu.memory_space<semaphore_mem>>
      %dma_start3A = arith.constant 0 : i32
      %dma_start3A_7 = arith.constant 0 : i32
      %dma_start3A_8 = tpu.memref_slice %arg2[%arg0, %arg1, %dma_start3A, %dma_start3A_7] : memref<2x16x79x128xi32, #tpu.memory_space<hbm>> -> memref<1x1x79x128xi32, #tpu.memory_space<hbm>>
      %dma_start3A_9 = tpu.memref_squeeze %dma_start3A_8 : memref<1x1x79x128xi32, #tpu.memory_space<hbm>> -> memref<79x128xi32, #tpu.memory_space<hbm>>
      %dma_start3A_10 = arith.constant 0 : i32
      %dma_start3A_11 = arith.constant 0 : i32
      %dma_start3A_12 = tpu.memref_slice %arg2[%arg0, %arg1, %dma_start3A_10, %dma_start3A_11] : memref<2x16x79x128xi32, #tpu.memory_space<hbm>> -> memref<1x1x79x128xi32, #tpu.memory_space<hbm>>
      %dma_start3A_13 = tpu.memref_squeeze %dma_start3A_12 : memref<1x1x79x128xi32, #tpu.memory_space<hbm>> -> memref<79x128xi32, #tpu.memory_space<hbm>>
      tpu.enqueue_dma source(%dma_start3A_13 : memref<79x128xi32, #tpu.memory_space<hbm>>) target(%arg6 : memref<79x128xi32, #tpu.memory_space<vmem>>) target_semaphore(%run_scoped3A : memref<!tpu.dma_semaphore, #tpu.memory_space<semaphore_mem>>)
      %dma_wait3A = arith.constant 0 : i32
      %dma_wait3A_14 = arith.constant 0 : i32
      %dma_wait3A_15 = tpu.memref_slice %arg2[%arg0, %arg1, %dma_wait3A, %dma_wait3A_14] : memref<2x16x79x128xi32, #tpu.memory_space<hbm>> -> memref<1x1x79x128xi32, #tpu.memory_space<hbm>>
      %dma_wait3A_16 = tpu.memref_squeeze %dma_wait3A_15 : memref<1x1x79x128xi32, #tpu.memory_space<hbm>> -> memref<79x128xi32, #tpu.memory_space<hbm>>
      %dma_wait3A_17 = arith.constant 0 : i32
      %dma_wait3A_18 = arith.constant 0 : i32
      %dma_wait3A_19 = tpu.memref_slice %arg2[%arg0, %arg1, %dma_wait3A_17, %dma_wait3A_18] : memref<2x16x79x128xi32, #tpu.memory_space<hbm>> -> memref<1x1x79x128xi32, #tpu.memory_space<hbm>>
      %dma_wait3A_20 = tpu.memref_squeeze %dma_wait3A_19 : memref<1x1x79x128xi32, #tpu.memory_space<hbm>> -> memref<79x128xi32, #tpu.memory_space<hbm>>
      tpu.wait_dma2 semaphore(%run_scoped3A : memref<!tpu.dma_semaphore, #tpu.memory_space<semaphore_mem>>) src(%dma_wait3A_20 : memref<79x128xi32, #tpu.memory_space<hbm>>) dst(%arg6 : memref<79x128xi32, #tpu.memory_space<vmem>>)
      tpu.yield
    }) : () -> ()
    %barrier3A = arith.constant 0 : index
    tpu.barrier barrier_id(%barrier3A)
    %scan3A = arith.constant 0 : i32
    %scan3A_1 = arith.constant 0 : i32
    %scan3A_2 = arith.constant 79 : i32
    %scan3A_3 = arith.addi %scan3A_1, %scan3A_2 : i32
    %scan3A_4 = arith.constant 1 : i32
    scf.for %scan3A_7 = %scan3A_1 to %scan3A_3 step %scan3A_4  : i32 {
      "tpu.region"() ({
        %run_scoped3A = tpu.sem_alloc : memref<!tpu.dma_semaphore, #tpu.memory_space<semaphore_mem>>
        %dma_start3A = arith.constant 0 : i32
        %dma_start3A_8 = tpu.memref_slice %arg6[%scan3A_7, %dma_start3A] : memref<79x128xi32, #tpu.memory_space<vmem>> -> memref<1x128xi32, #tpu.memory_space<vmem>>
        %dma_start3A_9 = tpu.memref_squeeze %dma_start3A_8 : memref<1x128xi32, #tpu.memory_space<vmem>> -> memref<128xi32, #tpu.memory_space<vmem>>
        %dma_start3A_10 = arith.constant 0 : i32
        %dma_start3A_11 = arith.constant 0 : i32
        %dma_start3A_12 = tpu.memref_slice %arg8[%dma_start3A_10, %dma_start3A_11] : memref<10240x128xf32, #tpu.memory_space<vmem_shared>> -> memref<10240x128xf32, #tpu.memory_space<vmem_shared>>
        tpu.enqueue_indirect_dma source(%arg7 : memref<128x128xf32, #tpu.memory_space<vmem>>) target(%dma_start3A_12 : memref<10240x128xf32, #tpu.memory_space<vmem_shared>>) offsets(%dma_start3A_9 : memref<128xi32, #tpu.memory_space<vmem>>) semaphore(%run_scoped3A : memref<!tpu.dma_semaphore, #tpu.memory_space<semaphore_mem>>) {add = true}
        %dma_wait3A = arith.constant 0 : i32
        %dma_wait3A_13 = tpu.memref_slice %arg6[%scan3A_7, %dma_wait3A] : memref<79x128xi32, #tpu.memory_space<vmem>> -> memref<1x128xi32, #tpu.memory_space<vmem>>
        %dma_wait3A_14 = tpu.memref_squeeze %dma_wait3A_13 : memref<1x128xi32, #tpu.memory_space<vmem>> -> memref<128xi32, #tpu.memory_space<vmem>>
        %dma_wait3A_15 = arith.constant 0 : i32
        %dma_wait3A_16 = arith.constant 0 : i32
        %dma_wait3A_17 = tpu.memref_slice %arg8[%dma_wait3A_15, %dma_wait3A_16] : memref<10240x128xf32, #tpu.memory_space<vmem_shared>> -> memref<10240x128xf32, #tpu.memory_space<vmem_shared>>
        tpu.wait_indirect_dma semaphore(%run_scoped3A : memref<!tpu.dma_semaphore, #tpu.memory_space<semaphore_mem>>) src(%arg7 : memref<128x128xf32, #tpu.memory_space<vmem>>) dst(%dma_wait3A_17 : memref<10240x128xf32, #tpu.memory_space<vmem_shared>>)
        tpu.yield
      }) : () -> ()
    }
    %scan3A_5 = arith.constant 79 : i32
    %barrier3A_6 = arith.constant 0 : index
    tpu.barrier barrier_id(%barrier3A_6)
    "tpu.region"() ({
      %run_scoped3A = tpu.sem_alloc : memref<!tpu.dma_semaphore, #tpu.memory_space<semaphore_mem>>
      %dma_start3A = arith.constant 0 : i32
      %dma_start3A_7 = tpu.memref_slice %arg5[%arg0, %mul3A_0, %dma_start3A] : memref<2x10240x128xf32, #tpu.memory_space<hbm>> -> memref<1x640x128xf32, #tpu.memory_space<hbm>>
      %dma_start3A_8 = tpu.memref_squeeze %dma_start3A_7 : memref<1x640x128xf32, #tpu.memory_space<hbm>> -> memref<640x128xf32, #tpu.memory_space<hbm>>
      %dma_start3A_9 = arith.constant 0 : i32
      %dma_start3A_10 = tpu.memref_slice %arg8[%mul3A_0, %dma_start3A_9] : memref<10240x128xf32, #tpu.memory_space<vmem_shared>> -> memref<640x128xf32, #tpu.memory_space<vmem_shared>>
      tpu.enqueue_dma source(%dma_start3A_10 : memref<640x128xf32, #tpu.memory_space<vmem_shared>>) target(%dma_start3A_8 : memref<640x128xf32, #tpu.memory_space<hbm>>) target_semaphore(%run_scoped3A : memref<!tpu.dma_semaphore, #tpu.memory_space<semaphore_mem>>)
      %dma_wait3A = arith.constant 0 : i32
      %dma_wait3A_11 = tpu.memref_slice %arg5[%arg0, %mul3A_0, %dma_wait3A] : memref<2x10240x128xf32, #tpu.memory_space<hbm>> -> memref<1x640x128xf32, #tpu.memory_space<hbm>>
      %dma_wait3A_12 = tpu.memref_squeeze %dma_wait3A_11 : memref<1x640x128xf32, #tpu.memory_space<hbm>> -> memref<640x128xf32, #tpu.memory_space<hbm>>
      %dma_wait3A_13 = arith.constant 0 : i32
      %dma_wait3A_14 = tpu.memref_slice %arg8[%mul3A_0, %dma_wait3A_13] : memref<10240x128xf32, #tpu.memory_space<vmem_shared>> -> memref<640x128xf32, #tpu.memory_space<vmem_shared>>
      tpu.wait_dma2 semaphore(%run_scoped3A : memref<!tpu.dma_semaphore, #tpu.memory_space<semaphore_mem>>) src(%dma_wait3A_14 : memref<640x128xf32, #tpu.memory_space<vmem_shared>>) dst(%dma_wait3A_12 : memref<640x128xf32, #tpu.memory_space<hbm>>)
      tpu.yield
    }) : () -> ()
    return
  }
}

#map = affine_map<(d0, d1) -> (0, 0)>
#map1 = affine_map<(d0, d1) -> (0, 0, 0, 0)>
#map2 = affine_map<(d0, d1) -> (0, 0, 0)>
module attributes {stable_mosaic.version = 14 : i64} {
  func.func @_agg_body(%arg0: i32, %arg1: i32, %arg2: memref<10240x128xf32, #tpu.memory_space<hbm>>, %arg3: memref<2x16x79x128xi32, #tpu.memory_space<hbm>>, %arg4: memref<2x16x79x128xi32, #tpu.memory_space<hbm>>, %arg5: memref<10240x128xf32, #tpu.memory_space<hbm>>, %arg6: memref<2x10240x128xf32, #tpu.memory_space<hbm>>, %arg7: memref<79x128xi32, #tpu.memory_space<vmem>>, %arg8: memref<79x128xi32, #tpu.memory_space<vmem>>, %arg9: memref<128x128xf32, #tpu.memory_space<vmem>>, %arg10: memref<10240x128xf32, #tpu.memory_space<vmem_shared>>, %arg11: memref<!tpu.dma_semaphore, #tpu.memory_space<semaphore_mem>>) attributes {dimension_semantics = [#tpu.dimension_semantics<core_parallel>, #tpu.dimension_semantics<subcore_parallel>], iteration_bounds = array<i64: 2, 16>, scalar_prefetch = 0 : i64, scratch_operands = 5 : i64, tpu.core_type = #tpu.core_type<sc_vector_subcore>, window_params = [{transform_indices = #map}, {transform_indices = #map1}, {transform_indices = #map1}, {transform_indices = #map}, {transform_indices = #map2}]} {
    %mul3A = arith.constant 640 : i32
    %mul3A_0 = arith.muli %arg1, %mul3A : i32
    "tpu.region"() ({
      %run_scoped3A = tpu.sem_alloc : memref<!tpu.dma_semaphore, #tpu.memory_space<semaphore_mem>>
      %dma_start3A = arith.constant 0 : i32
      %dma_start3A_7 = tpu.memref_slice %arg10[%mul3A_0, %dma_start3A] : memref<10240x128xf32, #tpu.memory_space<vmem_shared>> -> memref<640x128xf32, #tpu.memory_space<vmem_shared>>
      %dma_start3A_8 = arith.constant 0 : i32
      %dma_start3A_9 = tpu.memref_slice %arg5[%mul3A_0, %dma_start3A_8] : memref<10240x128xf32, #tpu.memory_space<hbm>> -> memref<640x128xf32, #tpu.memory_space<hbm>>
      tpu.enqueue_dma source(%dma_start3A_9 : memref<640x128xf32, #tpu.memory_space<hbm>>) target(%dma_start3A_7 : memref<640x128xf32, #tpu.memory_space<vmem_shared>>) target_semaphore(%run_scoped3A : memref<!tpu.dma_semaphore, #tpu.memory_space<semaphore_mem>>)
      %dma_wait3A = arith.constant 0 : i32
      %dma_wait3A_10 = tpu.memref_slice %arg10[%mul3A_0, %dma_wait3A] : memref<10240x128xf32, #tpu.memory_space<vmem_shared>> -> memref<640x128xf32, #tpu.memory_space<vmem_shared>>
      %dma_wait3A_11 = arith.constant 0 : i32
      %dma_wait3A_12 = tpu.memref_slice %arg5[%mul3A_0, %dma_wait3A_11] : memref<10240x128xf32, #tpu.memory_space<hbm>> -> memref<640x128xf32, #tpu.memory_space<hbm>>
      tpu.wait_dma2 semaphore(%run_scoped3A : memref<!tpu.dma_semaphore, #tpu.memory_space<semaphore_mem>>) src(%dma_wait3A_12 : memref<640x128xf32, #tpu.memory_space<hbm>>) dst(%dma_wait3A_10 : memref<640x128xf32, #tpu.memory_space<vmem_shared>>)
      tpu.yield
    }) : () -> ()
    "tpu.region"() ({
      %run_scoped3A = tpu.sem_alloc : memref<!tpu.dma_semaphore, #tpu.memory_space<semaphore_mem>>
      %dma_start3A = arith.constant 0 : i32
      %dma_start3A_7 = arith.constant 0 : i32
      %dma_start3A_8 = tpu.memref_slice %arg3[%arg0, %arg1, %dma_start3A, %dma_start3A_7] : memref<2x16x79x128xi32, #tpu.memory_space<hbm>> -> memref<1x1x79x128xi32, #tpu.memory_space<hbm>>
      %dma_start3A_9 = tpu.memref_squeeze %dma_start3A_8 : memref<1x1x79x128xi32, #tpu.memory_space<hbm>> -> memref<79x128xi32, #tpu.memory_space<hbm>>
      %dma_start3A_10 = arith.constant 0 : i32
      %dma_start3A_11 = arith.constant 0 : i32
      %dma_start3A_12 = tpu.memref_slice %arg3[%arg0, %arg1, %dma_start3A_10, %dma_start3A_11] : memref<2x16x79x128xi32, #tpu.memory_space<hbm>> -> memref<1x1x79x128xi32, #tpu.memory_space<hbm>>
      %dma_start3A_13 = tpu.memref_squeeze %dma_start3A_12 : memref<1x1x79x128xi32, #tpu.memory_space<hbm>> -> memref<79x128xi32, #tpu.memory_space<hbm>>
      tpu.enqueue_dma source(%dma_start3A_13 : memref<79x128xi32, #tpu.memory_space<hbm>>) target(%arg7 : memref<79x128xi32, #tpu.memory_space<vmem>>) target_semaphore(%run_scoped3A : memref<!tpu.dma_semaphore, #tpu.memory_space<semaphore_mem>>)
      %dma_wait3A = arith.constant 0 : i32
      %dma_wait3A_14 = arith.constant 0 : i32
      %dma_wait3A_15 = tpu.memref_slice %arg3[%arg0, %arg1, %dma_wait3A, %dma_wait3A_14] : memref<2x16x79x128xi32, #tpu.memory_space<hbm>> -> memref<1x1x79x128xi32, #tpu.memory_space<hbm>>
      %dma_wait3A_16 = tpu.memref_squeeze %dma_wait3A_15 : memref<1x1x79x128xi32, #tpu.memory_space<hbm>> -> memref<79x128xi32, #tpu.memory_space<hbm>>
      %dma_wait3A_17 = arith.constant 0 : i32
      %dma_wait3A_18 = arith.constant 0 : i32
      %dma_wait3A_19 = tpu.memref_slice %arg3[%arg0, %arg1, %dma_wait3A_17, %dma_wait3A_18] : memref<2x16x79x128xi32, #tpu.memory_space<hbm>> -> memref<1x1x79x128xi32, #tpu.memory_space<hbm>>
      %dma_wait3A_20 = tpu.memref_squeeze %dma_wait3A_19 : memref<1x1x79x128xi32, #tpu.memory_space<hbm>> -> memref<79x128xi32, #tpu.memory_space<hbm>>
      tpu.wait_dma2 semaphore(%run_scoped3A : memref<!tpu.dma_semaphore, #tpu.memory_space<semaphore_mem>>) src(%dma_wait3A_20 : memref<79x128xi32, #tpu.memory_space<hbm>>) dst(%arg7 : memref<79x128xi32, #tpu.memory_space<vmem>>)
      tpu.yield
    }) : () -> ()
    "tpu.region"() ({
      %run_scoped3A = tpu.sem_alloc : memref<!tpu.dma_semaphore, #tpu.memory_space<semaphore_mem>>
      %dma_start3A = arith.constant 0 : i32
      %dma_start3A_7 = arith.constant 0 : i32
      %dma_start3A_8 = tpu.memref_slice %arg4[%arg0, %arg1, %dma_start3A, %dma_start3A_7] : memref<2x16x79x128xi32, #tpu.memory_space<hbm>> -> memref<1x1x79x128xi32, #tpu.memory_space<hbm>>
      %dma_start3A_9 = tpu.memref_squeeze %dma_start3A_8 : memref<1x1x79x128xi32, #tpu.memory_space<hbm>> -> memref<79x128xi32, #tpu.memory_space<hbm>>
      %dma_start3A_10 = arith.constant 0 : i32
      %dma_start3A_11 = arith.constant 0 : i32
      %dma_start3A_12 = tpu.memref_slice %arg4[%arg0, %arg1, %dma_start3A_10, %dma_start3A_11] : memref<2x16x79x128xi32, #tpu.memory_space<hbm>> -> memref<1x1x79x128xi32, #tpu.memory_space<hbm>>
      %dma_start3A_13 = tpu.memref_squeeze %dma_start3A_12 : memref<1x1x79x128xi32, #tpu.memory_space<hbm>> -> memref<79x128xi32, #tpu.memory_space<hbm>>
      tpu.enqueue_dma source(%dma_start3A_13 : memref<79x128xi32, #tpu.memory_space<hbm>>) target(%arg8 : memref<79x128xi32, #tpu.memory_space<vmem>>) target_semaphore(%run_scoped3A : memref<!tpu.dma_semaphore, #tpu.memory_space<semaphore_mem>>)
      %dma_wait3A = arith.constant 0 : i32
      %dma_wait3A_14 = arith.constant 0 : i32
      %dma_wait3A_15 = tpu.memref_slice %arg4[%arg0, %arg1, %dma_wait3A, %dma_wait3A_14] : memref<2x16x79x128xi32, #tpu.memory_space<hbm>> -> memref<1x1x79x128xi32, #tpu.memory_space<hbm>>
      %dma_wait3A_16 = tpu.memref_squeeze %dma_wait3A_15 : memref<1x1x79x128xi32, #tpu.memory_space<hbm>> -> memref<79x128xi32, #tpu.memory_space<hbm>>
      %dma_wait3A_17 = arith.constant 0 : i32
      %dma_wait3A_18 = arith.constant 0 : i32
      %dma_wait3A_19 = tpu.memref_slice %arg4[%arg0, %arg1, %dma_wait3A_17, %dma_wait3A_18] : memref<2x16x79x128xi32, #tpu.memory_space<hbm>> -> memref<1x1x79x128xi32, #tpu.memory_space<hbm>>
      %dma_wait3A_20 = tpu.memref_squeeze %dma_wait3A_19 : memref<1x1x79x128xi32, #tpu.memory_space<hbm>> -> memref<79x128xi32, #tpu.memory_space<hbm>>
      tpu.wait_dma2 semaphore(%run_scoped3A : memref<!tpu.dma_semaphore, #tpu.memory_space<semaphore_mem>>) src(%dma_wait3A_20 : memref<79x128xi32, #tpu.memory_space<hbm>>) dst(%arg8 : memref<79x128xi32, #tpu.memory_space<vmem>>)
      tpu.yield
    }) : () -> ()
    %barrier3A = arith.constant 0 : index
    tpu.barrier barrier_id(%barrier3A)
    %scan3A = arith.constant 0 : i32
    %scan3A_1 = arith.constant 0 : i32
    %scan3A_2 = arith.constant 79 : i32
    %scan3A_3 = arith.addi %scan3A_1, %scan3A_2 : i32
    %scan3A_4 = arith.constant 1 : i32
    scf.for %scan3A_7 = %scan3A_1 to %scan3A_3 step %scan3A_4  : i32 {
      %dma_start3A = arith.constant 0 : i32
      %dma_start3A_8 = tpu.memref_slice %arg7[%scan3A_7, %dma_start3A] : memref<79x128xi32, #tpu.memory_space<vmem>> -> memref<1x128xi32, #tpu.memory_space<vmem>>
      %dma_start3A_9 = tpu.memref_squeeze %dma_start3A_8 : memref<1x128xi32, #tpu.memory_space<vmem>> -> memref<128xi32, #tpu.memory_space<vmem>>
      %dma_start3A_10 = arith.constant 0 : i32
      %dma_start3A_11 = arith.constant 0 : i32
      %dma_start3A_12 = tpu.memref_slice %arg2[%dma_start3A_10, %dma_start3A_11] : memref<10240x128xf32, #tpu.memory_space<hbm>> -> memref<10240x128xf32, #tpu.memory_space<hbm>>
      tpu.enqueue_indirect_dma source(%dma_start3A_12 : memref<10240x128xf32, #tpu.memory_space<hbm>>) target(%arg9 : memref<128x128xf32, #tpu.memory_space<vmem>>) offsets(%dma_start3A_9 : memref<128xi32, #tpu.memory_space<vmem>>) semaphore(%arg11 : memref<!tpu.dma_semaphore, #tpu.memory_space<semaphore_mem>>)
      %dma_wait3A = arith.constant 0 : i32
      %dma_wait3A_13 = tpu.memref_slice %arg7[%scan3A_7, %dma_wait3A] : memref<79x128xi32, #tpu.memory_space<vmem>> -> memref<1x128xi32, #tpu.memory_space<vmem>>
      %dma_wait3A_14 = tpu.memref_squeeze %dma_wait3A_13 : memref<1x128xi32, #tpu.memory_space<vmem>> -> memref<128xi32, #tpu.memory_space<vmem>>
      %dma_wait3A_15 = arith.constant 0 : i32
      %dma_wait3A_16 = arith.constant 0 : i32
      %dma_wait3A_17 = tpu.memref_slice %arg2[%dma_wait3A_15, %dma_wait3A_16] : memref<10240x128xf32, #tpu.memory_space<hbm>> -> memref<10240x128xf32, #tpu.memory_space<hbm>>
      tpu.wait_indirect_dma semaphore(%arg11 : memref<!tpu.dma_semaphore, #tpu.memory_space<semaphore_mem>>) src(%dma_wait3A_17 : memref<10240x128xf32, #tpu.memory_space<hbm>>) dst(%arg9 : memref<128x128xf32, #tpu.memory_space<vmem>>)
      "tpu.region"() ({
        %run_scoped3A = tpu.sem_alloc : memref<!tpu.dma_semaphore, #tpu.memory_space<semaphore_mem>>
        %dma_start3A_18 = arith.constant 0 : i32
        %dma_start3A_19 = tpu.memref_slice %arg8[%scan3A_7, %dma_start3A_18] : memref<79x128xi32, #tpu.memory_space<vmem>> -> memref<1x128xi32, #tpu.memory_space<vmem>>
        %dma_start3A_20 = tpu.memref_squeeze %dma_start3A_19 : memref<1x128xi32, #tpu.memory_space<vmem>> -> memref<128xi32, #tpu.memory_space<vmem>>
        %dma_start3A_21 = arith.constant 0 : i32
        %dma_start3A_22 = arith.constant 0 : i32
        %dma_start3A_23 = tpu.memref_slice %arg10[%dma_start3A_21, %dma_start3A_22] : memref<10240x128xf32, #tpu.memory_space<vmem_shared>> -> memref<10240x128xf32, #tpu.memory_space<vmem_shared>>
        tpu.enqueue_indirect_dma source(%arg9 : memref<128x128xf32, #tpu.memory_space<vmem>>) target(%dma_start3A_23 : memref<10240x128xf32, #tpu.memory_space<vmem_shared>>) offsets(%dma_start3A_20 : memref<128xi32, #tpu.memory_space<vmem>>) semaphore(%run_scoped3A : memref<!tpu.dma_semaphore, #tpu.memory_space<semaphore_mem>>) {add = true}
        %dma_wait3A_24 = arith.constant 0 : i32
        %dma_wait3A_25 = tpu.memref_slice %arg8[%scan3A_7, %dma_wait3A_24] : memref<79x128xi32, #tpu.memory_space<vmem>> -> memref<1x128xi32, #tpu.memory_space<vmem>>
        %dma_wait3A_26 = tpu.memref_squeeze %dma_wait3A_25 : memref<1x128xi32, #tpu.memory_space<vmem>> -> memref<128xi32, #tpu.memory_space<vmem>>
        %dma_wait3A_27 = arith.constant 0 : i32
        %dma_wait3A_28 = arith.constant 0 : i32
        %dma_wait3A_29 = tpu.memref_slice %arg10[%dma_wait3A_27, %dma_wait3A_28] : memref<10240x128xf32, #tpu.memory_space<vmem_shared>> -> memref<10240x128xf32, #tpu.memory_space<vmem_shared>>
        tpu.wait_indirect_dma semaphore(%run_scoped3A : memref<!tpu.dma_semaphore, #tpu.memory_space<semaphore_mem>>) src(%arg9 : memref<128x128xf32, #tpu.memory_space<vmem>>) dst(%dma_wait3A_29 : memref<10240x128xf32, #tpu.memory_space<vmem_shared>>)
        tpu.yield
      }) : () -> ()
    }
    %scan3A_5 = arith.constant 79 : i32
    %barrier3A_6 = arith.constant 0 : index
    tpu.barrier barrier_id(%barrier3A_6)
    "tpu.region"() ({
      %run_scoped3A = tpu.sem_alloc : memref<!tpu.dma_semaphore, #tpu.memory_space<semaphore_mem>>
      %dma_start3A = arith.constant 0 : i32
      %dma_start3A_7 = tpu.memref_slice %arg6[%arg0, %mul3A_0, %dma_start3A] : memref<2x10240x128xf32, #tpu.memory_space<hbm>> -> memref<1x640x128xf32, #tpu.memory_space<hbm>>
      %dma_start3A_8 = tpu.memref_squeeze %dma_start3A_7 : memref<1x640x128xf32, #tpu.memory_space<hbm>> -> memref<640x128xf32, #tpu.memory_space<hbm>>
      %dma_start3A_9 = arith.constant 0 : i32
      %dma_start3A_10 = tpu.memref_slice %arg10[%mul3A_0, %dma_start3A_9] : memref<10240x128xf32, #tpu.memory_space<vmem_shared>> -> memref<640x128xf32, #tpu.memory_space<vmem_shared>>
      tpu.enqueue_dma source(%dma_start3A_10 : memref<640x128xf32, #tpu.memory_space<vmem_shared>>) target(%dma_start3A_8 : memref<640x128xf32, #tpu.memory_space<hbm>>) target_semaphore(%run_scoped3A : memref<!tpu.dma_semaphore, #tpu.memory_space<semaphore_mem>>)
      %dma_wait3A = arith.constant 0 : i32
      %dma_wait3A_11 = tpu.memref_slice %arg6[%arg0, %mul3A_0, %dma_wait3A] : memref<2x10240x128xf32, #tpu.memory_space<hbm>> -> memref<1x640x128xf32, #tpu.memory_space<hbm>>
      %dma_wait3A_12 = tpu.memref_squeeze %dma_wait3A_11 : memref<1x640x128xf32, #tpu.memory_space<hbm>> -> memref<640x128xf32, #tpu.memory_space<hbm>>
      %dma_wait3A_13 = arith.constant 0 : i32
      %dma_wait3A_14 = tpu.memref_slice %arg10[%mul3A_0, %dma_wait3A_13] : memref<10240x128xf32, #tpu.memory_space<vmem_shared>> -> memref<640x128xf32, #tpu.memory_space<vmem_shared>>
      tpu.wait_dma2 semaphore(%run_scoped3A : memref<!tpu.dma_semaphore, #tpu.memory_space<semaphore_mem>>) src(%dma_wait3A_14 : memref<640x128xf32, #tpu.memory_space<vmem_shared>>) dst(%dma_wait3A_12 : memref<640x128xf32, #tpu.memory_space<hbm>>)
      tpu.yield
    }) : () -> ()
    return
  }
}

#map = affine_map<(d0, d1) -> (0, 0)>
#map1 = affine_map<(d0, d1) -> (0, 0, 0, 0)>
#map2 = affine_map<(d0, d1) -> (0, 0, 0)>
module attributes {stable_mosaic.version = 14 : i64} {
  func.func @_agg_body(%arg0: i32, %arg1: i32, %arg2: memref<10240x128xf32, #tpu.memory_space<hbm>>, %arg3: memref<2x16x79x128xi32, #tpu.memory_space<hbm>>, %arg4: memref<2x16x79x128xi32, #tpu.memory_space<hbm>>, %arg5: memref<10240x128xf32, #tpu.memory_space<hbm>>, %arg6: memref<2x10240x128xf32, #tpu.memory_space<hbm>>, %arg7: memref<79x128xi32, #tpu.memory_space<vmem>>, %arg8: memref<79x128xi32, #tpu.memory_space<vmem>>, %arg9: memref<128x128xf32, #tpu.memory_space<vmem>>, %arg10: memref<10240x128xf32, #tpu.memory_space<vmem_shared>>, %arg11: memref<!tpu.dma_semaphore, #tpu.memory_space<semaphore_mem>>) attributes {dimension_semantics = [#tpu.dimension_semantics<core_parallel>, #tpu.dimension_semantics<subcore_parallel>], iteration_bounds = array<i64: 2, 16>, scalar_prefetch = 0 : i64, scratch_operands = 5 : i64, tpu.core_type = #tpu.core_type<sc_vector_subcore>, window_params = [{transform_indices = #map}, {transform_indices = #map1}, {transform_indices = #map1}, {transform_indices = #map}, {transform_indices = #map2}]} {
    %mul3A = arith.constant 640 : i32
    %mul3A_0 = arith.muli %arg1, %mul3A : i32
    "tpu.region"() ({
      %run_scoped3A = tpu.sem_alloc : memref<!tpu.dma_semaphore, #tpu.memory_space<semaphore_mem>>
      %dma_start3A = arith.constant 0 : i32
      %dma_start3A_7 = tpu.memref_slice %arg10[%mul3A_0, %dma_start3A] : memref<10240x128xf32, #tpu.memory_space<vmem_shared>> -> memref<640x128xf32, #tpu.memory_space<vmem_shared>>
      %dma_start3A_8 = arith.constant 0 : i32
      %dma_start3A_9 = tpu.memref_slice %arg5[%mul3A_0, %dma_start3A_8] : memref<10240x128xf32, #tpu.memory_space<hbm>> -> memref<640x128xf32, #tpu.memory_space<hbm>>
      tpu.enqueue_dma source(%dma_start3A_9 : memref<640x128xf32, #tpu.memory_space<hbm>>) target(%dma_start3A_7 : memref<640x128xf32, #tpu.memory_space<vmem_shared>>) target_semaphore(%run_scoped3A : memref<!tpu.dma_semaphore, #tpu.memory_space<semaphore_mem>>)
      %dma_wait3A = arith.constant 0 : i32
      %dma_wait3A_10 = tpu.memref_slice %arg10[%mul3A_0, %dma_wait3A] : memref<10240x128xf32, #tpu.memory_space<vmem_shared>> -> memref<640x128xf32, #tpu.memory_space<vmem_shared>>
      %dma_wait3A_11 = arith.constant 0 : i32
      %dma_wait3A_12 = tpu.memref_slice %arg5[%mul3A_0, %dma_wait3A_11] : memref<10240x128xf32, #tpu.memory_space<hbm>> -> memref<640x128xf32, #tpu.memory_space<hbm>>
      tpu.wait_dma2 semaphore(%run_scoped3A : memref<!tpu.dma_semaphore, #tpu.memory_space<semaphore_mem>>) src(%dma_wait3A_12 : memref<640x128xf32, #tpu.memory_space<hbm>>) dst(%dma_wait3A_10 : memref<640x128xf32, #tpu.memory_space<vmem_shared>>)
      tpu.yield
    }) : () -> ()
    "tpu.region"() ({
      %run_scoped3A = tpu.sem_alloc : memref<!tpu.dma_semaphore, #tpu.memory_space<semaphore_mem>>
      %dma_start3A = arith.constant 0 : i32
      %dma_start3A_7 = arith.constant 0 : i32
      %dma_start3A_8 = tpu.memref_slice %arg3[%arg0, %arg1, %dma_start3A, %dma_start3A_7] : memref<2x16x79x128xi32, #tpu.memory_space<hbm>> -> memref<1x1x79x128xi32, #tpu.memory_space<hbm>>
      %dma_start3A_9 = tpu.memref_squeeze %dma_start3A_8 : memref<1x1x79x128xi32, #tpu.memory_space<hbm>> -> memref<79x128xi32, #tpu.memory_space<hbm>>
      %dma_start3A_10 = arith.constant 0 : i32
      %dma_start3A_11 = arith.constant 0 : i32
      %dma_start3A_12 = tpu.memref_slice %arg3[%arg0, %arg1, %dma_start3A_10, %dma_start3A_11] : memref<2x16x79x128xi32, #tpu.memory_space<hbm>> -> memref<1x1x79x128xi32, #tpu.memory_space<hbm>>
      %dma_start3A_13 = tpu.memref_squeeze %dma_start3A_12 : memref<1x1x79x128xi32, #tpu.memory_space<hbm>> -> memref<79x128xi32, #tpu.memory_space<hbm>>
      tpu.enqueue_dma source(%dma_start3A_13 : memref<79x128xi32, #tpu.memory_space<hbm>>) target(%arg7 : memref<79x128xi32, #tpu.memory_space<vmem>>) target_semaphore(%run_scoped3A : memref<!tpu.dma_semaphore, #tpu.memory_space<semaphore_mem>>)
      %dma_wait3A = arith.constant 0 : i32
      %dma_wait3A_14 = arith.constant 0 : i32
      %dma_wait3A_15 = tpu.memref_slice %arg3[%arg0, %arg1, %dma_wait3A, %dma_wait3A_14] : memref<2x16x79x128xi32, #tpu.memory_space<hbm>> -> memref<1x1x79x128xi32, #tpu.memory_space<hbm>>
      %dma_wait3A_16 = tpu.memref_squeeze %dma_wait3A_15 : memref<1x1x79x128xi32, #tpu.memory_space<hbm>> -> memref<79x128xi32, #tpu.memory_space<hbm>>
      %dma_wait3A_17 = arith.constant 0 : i32
      %dma_wait3A_18 = arith.constant 0 : i32
      %dma_wait3A_19 = tpu.memref_slice %arg3[%arg0, %arg1, %dma_wait3A_17, %dma_wait3A_18] : memref<2x16x79x128xi32, #tpu.memory_space<hbm>> -> memref<1x1x79x128xi32, #tpu.memory_space<hbm>>
      %dma_wait3A_20 = tpu.memref_squeeze %dma_wait3A_19 : memref<1x1x79x128xi32, #tpu.memory_space<hbm>> -> memref<79x128xi32, #tpu.memory_space<hbm>>
      tpu.wait_dma2 semaphore(%run_scoped3A : memref<!tpu.dma_semaphore, #tpu.memory_space<semaphore_mem>>) src(%dma_wait3A_20 : memref<79x128xi32, #tpu.memory_space<hbm>>) dst(%arg7 : memref<79x128xi32, #tpu.memory_space<vmem>>)
      tpu.yield
    }) : () -> ()
    "tpu.region"() ({
      %run_scoped3A = tpu.sem_alloc : memref<!tpu.dma_semaphore, #tpu.memory_space<semaphore_mem>>
      %dma_start3A = arith.constant 0 : i32
      %dma_start3A_7 = arith.constant 0 : i32
      %dma_start3A_8 = tpu.memref_slice %arg4[%arg0, %arg1, %dma_start3A, %dma_start3A_7] : memref<2x16x79x128xi32, #tpu.memory_space<hbm>> -> memref<1x1x79x128xi32, #tpu.memory_space<hbm>>
      %dma_start3A_9 = tpu.memref_squeeze %dma_start3A_8 : memref<1x1x79x128xi32, #tpu.memory_space<hbm>> -> memref<79x128xi32, #tpu.memory_space<hbm>>
      %dma_start3A_10 = arith.constant 0 : i32
      %dma_start3A_11 = arith.constant 0 : i32
      %dma_start3A_12 = tpu.memref_slice %arg4[%arg0, %arg1, %dma_start3A_10, %dma_start3A_11] : memref<2x16x79x128xi32, #tpu.memory_space<hbm>> -> memref<1x1x79x128xi32, #tpu.memory_space<hbm>>
      %dma_start3A_13 = tpu.memref_squeeze %dma_start3A_12 : memref<1x1x79x128xi32, #tpu.memory_space<hbm>> -> memref<79x128xi32, #tpu.memory_space<hbm>>
      tpu.enqueue_dma source(%dma_start3A_13 : memref<79x128xi32, #tpu.memory_space<hbm>>) target(%arg8 : memref<79x128xi32, #tpu.memory_space<vmem>>) target_semaphore(%run_scoped3A : memref<!tpu.dma_semaphore, #tpu.memory_space<semaphore_mem>>)
      %dma_wait3A = arith.constant 0 : i32
      %dma_wait3A_14 = arith.constant 0 : i32
      %dma_wait3A_15 = tpu.memref_slice %arg4[%arg0, %arg1, %dma_wait3A, %dma_wait3A_14] : memref<2x16x79x128xi32, #tpu.memory_space<hbm>> -> memref<1x1x79x128xi32, #tpu.memory_space<hbm>>
      %dma_wait3A_16 = tpu.memref_squeeze %dma_wait3A_15 : memref<1x1x79x128xi32, #tpu.memory_space<hbm>> -> memref<79x128xi32, #tpu.memory_space<hbm>>
      %dma_wait3A_17 = arith.constant 0 : i32
      %dma_wait3A_18 = arith.constant 0 : i32
      %dma_wait3A_19 = tpu.memref_slice %arg4[%arg0, %arg1, %dma_wait3A_17, %dma_wait3A_18] : memref<2x16x79x128xi32, #tpu.memory_space<hbm>> -> memref<1x1x79x128xi32, #tpu.memory_space<hbm>>
      %dma_wait3A_20 = tpu.memref_squeeze %dma_wait3A_19 : memref<1x1x79x128xi32, #tpu.memory_space<hbm>> -> memref<79x128xi32, #tpu.memory_space<hbm>>
      tpu.wait_dma2 semaphore(%run_scoped3A : memref<!tpu.dma_semaphore, #tpu.memory_space<semaphore_mem>>) src(%dma_wait3A_20 : memref<79x128xi32, #tpu.memory_space<hbm>>) dst(%arg8 : memref<79x128xi32, #tpu.memory_space<vmem>>)
      tpu.yield
    }) : () -> ()
    %barrier3A = arith.constant 0 : index
    tpu.barrier barrier_id(%barrier3A)
    %scan3A = arith.constant 0 : i32
    %scan3A_1 = arith.constant 0 : i32
    %scan3A_2 = arith.constant 79 : i32
    %scan3A_3 = arith.addi %scan3A_1, %scan3A_2 : i32
    %scan3A_4 = arith.constant 1 : i32
    scf.for %scan3A_7 = %scan3A_1 to %scan3A_3 step %scan3A_4  : i32 {
      %dma_start3A = arith.constant 0 : i32
      %dma_start3A_8 = tpu.memref_slice %arg7[%scan3A_7, %dma_start3A] : memref<79x128xi32, #tpu.memory_space<vmem>> -> memref<1x128xi32, #tpu.memory_space<vmem>>
      %dma_start3A_9 = tpu.memref_squeeze %dma_start3A_8 : memref<1x128xi32, #tpu.memory_space<vmem>> -> memref<128xi32, #tpu.memory_space<vmem>>
      %dma_start3A_10 = arith.constant 0 : i32
      %dma_start3A_11 = arith.constant 0 : i32
      %dma_start3A_12 = tpu.memref_slice %arg2[%dma_start3A_10, %dma_start3A_11] : memref<10240x128xf32, #tpu.memory_space<hbm>> -> memref<10240x128xf32, #tpu.memory_space<hbm>>
      tpu.enqueue_indirect_dma source(%dma_start3A_12 : memref<10240x128xf32, #tpu.memory_space<hbm>>) target(%arg9 : memref<128x128xf32, #tpu.memory_space<vmem>>) offsets(%dma_start3A_9 : memref<128xi32, #tpu.memory_space<vmem>>) semaphore(%arg11 : memref<!tpu.dma_semaphore, #tpu.memory_space<semaphore_mem>>)
      %dma_wait3A = arith.constant 0 : i32
      %dma_wait3A_13 = tpu.memref_slice %arg7[%scan3A_7, %dma_wait3A] : memref<79x128xi32, #tpu.memory_space<vmem>> -> memref<1x128xi32, #tpu.memory_space<vmem>>
      %dma_wait3A_14 = tpu.memref_squeeze %dma_wait3A_13 : memref<1x128xi32, #tpu.memory_space<vmem>> -> memref<128xi32, #tpu.memory_space<vmem>>
      %dma_wait3A_15 = arith.constant 0 : i32
      %dma_wait3A_16 = arith.constant 0 : i32
      %dma_wait3A_17 = tpu.memref_slice %arg2[%dma_wait3A_15, %dma_wait3A_16] : memref<10240x128xf32, #tpu.memory_space<hbm>> -> memref<10240x128xf32, #tpu.memory_space<hbm>>
      tpu.wait_indirect_dma semaphore(%arg11 : memref<!tpu.dma_semaphore, #tpu.memory_space<semaphore_mem>>) src(%dma_wait3A_17 : memref<10240x128xf32, #tpu.memory_space<hbm>>) dst(%arg9 : memref<128x128xf32, #tpu.memory_space<vmem>>)
      "tpu.region"() ({
        %run_scoped3A = tpu.sem_alloc : memref<!tpu.dma_semaphore, #tpu.memory_space<semaphore_mem>>
        %dma_start3A_18 = arith.constant 0 : i32
        %dma_start3A_19 = tpu.memref_slice %arg8[%scan3A_7, %dma_start3A_18] : memref<79x128xi32, #tpu.memory_space<vmem>> -> memref<1x128xi32, #tpu.memory_space<vmem>>
        %dma_start3A_20 = tpu.memref_squeeze %dma_start3A_19 : memref<1x128xi32, #tpu.memory_space<vmem>> -> memref<128xi32, #tpu.memory_space<vmem>>
        %dma_start3A_21 = arith.constant 0 : i32
        %dma_start3A_22 = arith.constant 0 : i32
        %dma_start3A_23 = tpu.memref_slice %arg10[%dma_start3A_21, %dma_start3A_22] : memref<10240x128xf32, #tpu.memory_space<vmem_shared>> -> memref<10240x128xf32, #tpu.memory_space<vmem_shared>>
        tpu.enqueue_indirect_dma source(%arg9 : memref<128x128xf32, #tpu.memory_space<vmem>>) target(%dma_start3A_23 : memref<10240x128xf32, #tpu.memory_space<vmem_shared>>) offsets(%dma_start3A_20 : memref<128xi32, #tpu.memory_space<vmem>>) semaphore(%run_scoped3A : memref<!tpu.dma_semaphore, #tpu.memory_space<semaphore_mem>>) {add = true}
        %dma_wait3A_24 = arith.constant 0 : i32
        %dma_wait3A_25 = tpu.memref_slice %arg8[%scan3A_7, %dma_wait3A_24] : memref<79x128xi32, #tpu.memory_space<vmem>> -> memref<1x128xi32, #tpu.memory_space<vmem>>
        %dma_wait3A_26 = tpu.memref_squeeze %dma_wait3A_25 : memref<1x128xi32, #tpu.memory_space<vmem>> -> memref<128xi32, #tpu.memory_space<vmem>>
        %dma_wait3A_27 = arith.constant 0 : i32
        %dma_wait3A_28 = arith.constant 0 : i32
        %dma_wait3A_29 = tpu.memref_slice %arg10[%dma_wait3A_27, %dma_wait3A_28] : memref<10240x128xf32, #tpu.memory_space<vmem_shared>> -> memref<10240x128xf32, #tpu.memory_space<vmem_shared>>
        tpu.wait_indirect_dma semaphore(%run_scoped3A : memref<!tpu.dma_semaphore, #tpu.memory_space<semaphore_mem>>) src(%arg9 : memref<128x128xf32, #tpu.memory_space<vmem>>) dst(%dma_wait3A_29 : memref<10240x128xf32, #tpu.memory_space<vmem_shared>>)
        tpu.yield
      }) : () -> ()
    }
    %scan3A_5 = arith.constant 79 : i32
    %barrier3A_6 = arith.constant 0 : index
    tpu.barrier barrier_id(%barrier3A_6)
    "tpu.region"() ({
      %run_scoped3A = tpu.sem_alloc : memref<!tpu.dma_semaphore, #tpu.memory_space<semaphore_mem>>
      %dma_start3A = arith.constant 0 : i32
      %dma_start3A_7 = tpu.memref_slice %arg6[%arg0, %mul3A_0, %dma_start3A] : memref<2x10240x128xf32, #tpu.memory_space<hbm>> -> memref<1x640x128xf32, #tpu.memory_space<hbm>>
      %dma_start3A_8 = tpu.memref_squeeze %dma_start3A_7 : memref<1x640x128xf32, #tpu.memory_space<hbm>> -> memref<640x128xf32, #tpu.memory_space<hbm>>
      %dma_start3A_9 = arith.constant 0 : i32
      %dma_start3A_10 = tpu.memref_slice %arg10[%mul3A_0, %dma_start3A_9] : memref<10240x128xf32, #tpu.memory_space<vmem_shared>> -> memref<640x128xf32, #tpu.memory_space<vmem_shared>>
      tpu.enqueue_dma source(%dma_start3A_10 : memref<640x128xf32, #tpu.memory_space<vmem_shared>>) target(%dma_start3A_8 : memref<640x128xf32, #tpu.memory_space<hbm>>) target_semaphore(%run_scoped3A : memref<!tpu.dma_semaphore, #tpu.memory_space<semaphore_mem>>)
      %dma_wait3A = arith.constant 0 : i32
      %dma_wait3A_11 = tpu.memref_slice %arg6[%arg0, %mul3A_0, %dma_wait3A] : memref<2x10240x128xf32, #tpu.memory_space<hbm>> -> memref<1x640x128xf32, #tpu.memory_space<hbm>>
      %dma_wait3A_12 = tpu.memref_squeeze %dma_wait3A_11 : memref<1x640x128xf32, #tpu.memory_space<hbm>> -> memref<640x128xf32, #tpu.memory_space<hbm>>
      %dma_wait3A_13 = arith.constant 0 : i32
      %dma_wait3A_14 = tpu.memref_slice %arg10[%mul3A_0, %dma_wait3A_13] : memref<10240x128xf32, #tpu.memory_space<vmem_shared>> -> memref<640x128xf32, #tpu.memory_space<vmem_shared>>
      tpu.wait_dma2 semaphore(%run_scoped3A : memref<!tpu.dma_semaphore, #tpu.memory_space<semaphore_mem>>) src(%dma_wait3A_14 : memref<640x128xf32, #tpu.memory_space<vmem_shared>>) dst(%dma_wait3A_12 : memref<640x128xf32, #tpu.memory_space<hbm>>)
      tpu.yield
    }) : () -> ()
    return
  }
}

module attributes {stable_mosaic.version = 14 : i64} {
  func.func @_mm1_body(%arg0: i32, %arg1: memref<2x1024x128xf32, #tpu.memory_space<vmem>>, %arg2: memref<1024x128xf32, #tpu.memory_space<vmem>>, %arg3: memref<128x128xf32, #tpu.memory_space<vmem>>, %arg4: memref<1024x128xf32, #tpu.memory_space<vmem>>) attributes {dimension_semantics = [#tpu.dimension_semantics<arbitrary>], iteration_bounds = array<i64: 10>, scalar_prefetch = 0 : i64, scratch_operands = 0 : i64, tpu.core_type = #tpu.core_type<tc>, window_params = [{transform_indices = @transform_0, window_bounds = array<i64: 2, 1024, 128>}, {transform_indices = @transform_1, window_bounds = array<i64: 1024, 128>}, {pipeline_mode = #tpu.pipeline_mode<synchronous>, transform_indices = @transform_2, window_bounds = array<i64: 128, 128>}, {transform_indices = @transform_3, window_bounds = array<i64: 1024, 128>}]} {
    %get3A = arith.constant 0 : index
    %get3A_0 = arith.constant 0 : index
    %get3A_1 = vector.load %arg2[%get3A, %get3A_0] : memref<1024x128xf32, #tpu.memory_space<vmem>>, vector<1024x128xf32>
    %get3A_2 = arith.constant 0 : index
    %get3A_3 = arith.constant 0 : index
    %get3A_4 = vector.load %arg3[%get3A_2, %get3A_3] : memref<128x128xf32, #tpu.memory_space<vmem>>, vector<128x128xf32>
    %dot_general3A = arith.constant dense<0.000000e+00> : vector<1024x128xf32>
    %dot_general3A_5 = tpu.matmul %get3A_1, %get3A_4, %dot_general3A {dimension_numbers = #tpu.dot_dimension_numbers<[1], [0], [0], [1], [0, 0, 1, 1], [], []>, transpose_lhs_hint = false} : vector<1024x128xf32>, vector<128x128xf32>, vector<1024x128xf32> -> vector<1024x128xf32>
    %get3A_6 = arith.constant 0 : index
    %get3A_7 = arith.constant 0 : index
    %get3A_8 = arith.constant 0 : index
    %get3A_9 = vector.load %arg1[%get3A_6, %get3A_7, %get3A_8] : memref<2x1024x128xf32, #tpu.memory_space<vmem>>, vector<1x1024x1xf32>
    %get3A_10 = vector.shape_cast %get3A_9 : vector<1x1024x1xf32> to vector<1024x1xf32>
    %get3A_11 = arith.constant 1 : index
    %get3A_12 = arith.constant 0 : index
    %get3A_13 = arith.constant 0 : index
    %get3A_14 = vector.load %arg1[%get3A_11, %get3A_12, %get3A_13] : memref<2x1024x128xf32, #tpu.memory_space<vmem>>, vector<1x1024x1xf32>
    %get3A_15 = vector.shape_cast %get3A_14 : vector<1x1024x1xf32> to vector<1024x1xf32>
    %add3A = arith.addf %get3A_10, %get3A_15 : vector<1024x1xf32>
    %add3A_16 = arith.constant 1.000000e+00 : f32
    %add3A_17 = vector.broadcast %add3A_16 : f32 to vector<1024x1xf32>
    %add3A_18 = arith.addf %add3A, %add3A_17 : vector<1024x1xf32>
    %rsqrt3A = math.rsqrt %add3A_18 : vector<1024x1xf32>
    %mul3A = vector.broadcast %rsqrt3A : vector<1024x1xf32> to vector<1024x128xf32>
    %mul3A_19 = arith.mulf %dot_general3A_5, %mul3A : vector<1024x128xf32>
    %swap3A = arith.constant 0 : index
    %swap3A_20 = arith.constant 0 : index
    %swap3A_21 = vector.load %arg4[%swap3A, %swap3A_20] : memref<1024x128xf32, #tpu.memory_space<vmem>>, vector<1024x128xf32>
    tpu.vector_store %arg4[%swap3A, %swap3A_20], %mul3A_19 {strides = array<i32>} : memref<1024x128xf32, #tpu.memory_space<vmem>>, vector<1024x128xf32>,
    return
  }
  func.func @transform_0(%arg0: i32) -> (i32, i32, i32) {
    %c0_i32 = arith.constant 0 : i32
    %c0_i32_0 = arith.constant 0 : i32
    %c0_i32_1 = arith.constant 0 : i32
    return %c0_i32, %arg0, %c0_i32_0 : i32, i32, i32
  }
  func.func @transform_1(%arg0: i32) -> (i32, i32) {
    %c0_i32 = arith.constant 0 : i32
    %c0_i32_0 = arith.constant 0 : i32
    return %arg0, %c0_i32 : i32, i32
  }
  func.func @transform_2(%arg0: i32) -> (i32, i32) {
    %c0_i32 = arith.constant 0 : i32
    %c0_i32_0 = arith.constant 0 : i32
    %c0_i32_1 = arith.constant 0 : i32
    return %c0_i32, %c0_i32_0 : i32, i32
  }
  func.func @transform_3(%arg0: i32) -> (i32, i32) {
    %c0_i32 = arith.constant 0 : i32
    %c0_i32_0 = arith.constant 0 : i32
    return %arg0, %c0_i32 : i32, i32
  }
}

module attributes {stable_mosaic.version = 14 : i64} {
  func.func @_mm2_body(%arg0: i32, %arg1: memref<2x1024x128xf32, #tpu.memory_space<vmem>>, %arg2: memref<2x1024x128xf32, #tpu.memory_space<vmem>>, %arg3: memref<1024x128xf32, #tpu.memory_space<vmem>>, %arg4: memref<1x128xf32, #tpu.memory_space<vmem>>, %arg5: memref<128x128xf32, #tpu.memory_space<vmem>>, %arg6: memref<1024x128xf32, #tpu.memory_space<vmem>>) attributes {dimension_semantics = [#tpu.dimension_semantics<arbitrary>], iteration_bounds = array<i64: 10>, scalar_prefetch = 0 : i64, scratch_operands = 0 : i64, tpu.core_type = #tpu.core_type<tc>, window_params = [{transform_indices = @transform_0, window_bounds = array<i64: 2, 1024, 128>}, {transform_indices = @transform_1, window_bounds = array<i64: 2, 1024, 128>}, {transform_indices = @transform_2, window_bounds = array<i64: 1024, 128>}, {pipeline_mode = #tpu.pipeline_mode<synchronous>, transform_indices = @transform_3, window_bounds = array<i64: 1, 128>}, {pipeline_mode = #tpu.pipeline_mode<synchronous>, transform_indices = @transform_4, window_bounds = array<i64: 128, 128>}, {transform_indices = @transform_5, window_bounds = array<i64: 1024, 128>}]} {
    %get3A = arith.constant 0 : index
    %get3A_0 = arith.constant 0 : index
    %get3A_1 = arith.constant 0 : index
    %get3A_2 = vector.load %arg1[%get3A, %get3A_0, %get3A_1] : memref<2x1024x128xf32, #tpu.memory_space<vmem>>, vector<1x1024x1xf32>
    %get3A_3 = vector.shape_cast %get3A_2 : vector<1x1024x1xf32> to vector<1024x1xf32>
    %get3A_4 = arith.constant 1 : index
    %get3A_5 = arith.constant 0 : index
    %get3A_6 = arith.constant 0 : index
    %get3A_7 = vector.load %arg1[%get3A_4, %get3A_5, %get3A_6] : memref<2x1024x128xf32, #tpu.memory_space<vmem>>, vector<1x1024x1xf32>
    %get3A_8 = vector.shape_cast %get3A_7 : vector<1x1024x1xf32> to vector<1024x1xf32>
    %add3A = arith.addf %get3A_3, %get3A_8 : vector<1024x1xf32>
    %add3A_9 = arith.constant 1.000000e+00 : f32
    %add3A_10 = vector.broadcast %add3A_9 : f32 to vector<1024x1xf32>
    %add3A_11 = arith.addf %add3A, %add3A_10 : vector<1024x1xf32>
    %rsqrt3A = math.rsqrt %add3A_11 : vector<1024x1xf32>
    %get3A_12 = arith.constant 0 : index
    %get3A_13 = arith.constant 0 : index
    %get3A_14 = arith.constant 0 : index
    %get3A_15 = vector.load %arg2[%get3A_12, %get3A_13, %get3A_14] : memref<2x1024x128xf32, #tpu.memory_space<vmem>>, vector<1x1024x128xf32>
    %get3A_16 = vector.shape_cast %get3A_15 : vector<1x1024x128xf32> to vector<1024x128xf32>
    %get3A_17 = arith.constant 1 : index
    %get3A_18 = arith.constant 0 : index
    %get3A_19 = arith.constant 0 : index
    %get3A_20 = vector.load %arg2[%get3A_17, %get3A_18, %get3A_19] : memref<2x1024x128xf32, #tpu.memory_space<vmem>>, vector<1x1024x128xf32>
    %get3A_21 = vector.shape_cast %get3A_20 : vector<1x1024x128xf32> to vector<1024x128xf32>
    %add3A_22 = arith.addf %get3A_16, %get3A_21 : vector<1024x128xf32>
    %get3A_23 = arith.constant 0 : index
    %get3A_24 = arith.constant 0 : index
    %get3A_25 = vector.load %arg3[%get3A_23, %get3A_24] : memref<1024x128xf32, #tpu.memory_space<vmem>>, vector<1024x128xf32>
    %add3A_26 = arith.addf %add3A_22, %get3A_25 : vector<1024x128xf32>
    %mul3A = vector.broadcast %rsqrt3A : vector<1024x1xf32> to vector<1024x128xf32>
    %mul3A_27 = arith.mulf %mul3A, %add3A_26 : vector<1024x128xf32>
    %get3A_28 = arith.constant 0 : index
    %get3A_29 = arith.constant 0 : index
    %get3A_30 = vector.load %arg4[%get3A_28, %get3A_29] : memref<1x128xf32, #tpu.memory_space<vmem>>, vector<1x128xf32>
    %add3A_31 = vector.broadcast %get3A_30 : vector<1x128xf32> to vector<1024x128xf32>
    %add3A_32 = arith.addf %mul3A_27, %add3A_31 : vector<1024x128xf32>
    %max3A = arith.constant 0.000000e+00 : f32
    %max3A_33 = vector.broadcast %max3A : f32 to vector<1024x128xf32>
    %max3A_34 = arith.maximumf %add3A_32, %max3A_33 : vector<1024x128xf32>
    %get3A_35 = arith.constant 0 : index
    %get3A_36 = arith.constant 0 : index
    %get3A_37 = vector.load %arg5[%get3A_35, %get3A_36] : memref<128x128xf32, #tpu.memory_space<vmem>>, vector<128x128xf32>
    %dot_general3A = arith.constant dense<0.000000e+00> : vector<1024x128xf32>
    %dot_general3A_38 = tpu.matmul %max3A_34, %get3A_37, %dot_general3A {dimension_numbers = #tpu.dot_dimension_numbers<[1], [0], [0], [1], [0, 0, 1, 1], [], []>, transpose_lhs_hint = false} : vector<1024x128xf32>, vector<128x128xf32>, vector<1024x128xf32> -> vector<1024x128xf32>
    %mul3A_39 = vector.broadcast %rsqrt3A : vector<1024x1xf32> to vector<1024x128xf32>
    %mul3A_40 = arith.mulf %mul3A_39, %dot_general3A_38 : vector<1024x128xf32>
    %swap3A = arith.constant 0 : index
    %swap3A_41 = arith.constant 0 : index
    %swap3A_42 = vector.load %arg6[%swap3A, %swap3A_41] : memref<1024x128xf32, #tpu.memory_space<vmem>>, vector<1024x128xf32>
    tpu.vector_store %arg6[%swap3A, %swap3A_41], %mul3A_40 {strides = array<i32>} : memref<1024x128xf32, #tpu.memory_space<vmem>>, vector<1024x128xf32>,
    return
  }
  func.func @transform_0(%arg0: i32) -> (i32, i32, i32) {
    %c0_i32 = arith.constant 0 : i32
    %c0_i32_0 = arith.constant 0 : i32
    %c0_i32_1 = arith.constant 0 : i32
    return %c0_i32, %arg0, %c0_i32_0 : i32, i32, i32
  }
  func.func @transform_1(%arg0: i32) -> (i32, i32, i32) {
    %c0_i32 = arith.constant 0 : i32
    %c0_i32_0 = arith.constant 0 : i32
    %c0_i32_1 = arith.constant 0 : i32
    return %c0_i32, %arg0, %c0_i32_0 : i32, i32, i32
  }
  func.func @transform_2(%arg0: i32) -> (i32, i32) {
    %c0_i32 = arith.constant 0 : i32
    %c0_i32_0 = arith.constant 0 : i32
    return %arg0, %c0_i32 : i32, i32
  }
  func.func @transform_3(%arg0: i32) -> (i32, i32) {
    %c0_i32 = arith.constant 0 : i32
    %c0_i32_0 = arith.constant 0 : i32
    %c0_i32_1 = arith.constant 0 : i32
    return %c0_i32, %c0_i32_0 : i32, i32
  }
  func.func @transform_4(%arg0: i32) -> (i32, i32) {
    %c0_i32 = arith.constant 0 : i32
    %c0_i32_0 = arith.constant 0 : i32
    %c0_i32_1 = arith.constant 0 : i32
    return %c0_i32, %c0_i32_0 : i32, i32
  }
  func.func @transform_5(%arg0: i32) -> (i32, i32) {
    %c0_i32 = arith.constant 0 : i32
    %c0_i32_0 = arith.constant 0 : i32
    return %arg0, %c0_i32 : i32, i32
  }
}

module attributes {stable_mosaic.version = 14 : i64} {
  func.func @_fin_body(%arg0: i32, %arg1: memref<2x1024x128xf32, #tpu.memory_space<vmem>>, %arg2: memref<2x1024x128xf32, #tpu.memory_space<vmem>>, %arg3: memref<1024x128xf32, #tpu.memory_space<vmem>>, %arg4: memref<1x128xf32, #tpu.memory_space<vmem>>, %arg5: memref<1024x128xf32, #tpu.memory_space<vmem>>) attributes {dimension_semantics = [#tpu.dimension_semantics<arbitrary>], iteration_bounds = array<i64: 10>, scalar_prefetch = 0 : i64, scratch_operands = 0 : i64, tpu.core_type = #tpu.core_type<tc>, window_params = [{transform_indices = @transform_0, window_bounds = array<i64: 2, 1024, 128>}, {transform_indices = @transform_1, window_bounds = array<i64: 2, 1024, 128>}, {transform_indices = @transform_2, window_bounds = array<i64: 1024, 128>}, {pipeline_mode = #tpu.pipeline_mode<synchronous>, transform_indices = @transform_3, window_bounds = array<i64: 1, 128>}, {transform_indices = @transform_4, window_bounds = array<i64: 1024, 128>}]} {
    %get3A = arith.constant 0 : index
    %get3A_0 = arith.constant 0 : index
    %get3A_1 = arith.constant 0 : index
    %get3A_2 = vector.load %arg1[%get3A, %get3A_0, %get3A_1] : memref<2x1024x128xf32, #tpu.memory_space<vmem>>, vector<1x1024x1xf32>
    %get3A_3 = vector.shape_cast %get3A_2 : vector<1x1024x1xf32> to vector<1024x1xf32>
    %get3A_4 = arith.constant 1 : index
    %get3A_5 = arith.constant 0 : index
    %get3A_6 = arith.constant 0 : index
    %get3A_7 = vector.load %arg1[%get3A_4, %get3A_5, %get3A_6] : memref<2x1024x128xf32, #tpu.memory_space<vmem>>, vector<1x1024x1xf32>
    %get3A_8 = vector.shape_cast %get3A_7 : vector<1x1024x1xf32> to vector<1024x1xf32>
    %add3A = arith.addf %get3A_3, %get3A_8 : vector<1024x1xf32>
    %add3A_9 = arith.constant 1.000000e+00 : f32
    %add3A_10 = vector.broadcast %add3A_9 : f32 to vector<1024x1xf32>
    %add3A_11 = arith.addf %add3A, %add3A_10 : vector<1024x1xf32>
    %rsqrt3A = math.rsqrt %add3A_11 : vector<1024x1xf32>
    %get3A_12 = arith.constant 0 : index
    %get3A_13 = arith.constant 0 : index
    %get3A_14 = arith.constant 0 : index
    %get3A_15 = vector.load %arg2[%get3A_12, %get3A_13, %get3A_14] : memref<2x1024x128xf32, #tpu.memory_space<vmem>>, vector<1x1024x128xf32>
    %get3A_16 = vector.shape_cast %get3A_15 : vector<1x1024x128xf32> to vector<1024x128xf32>
    %get3A_17 = arith.constant 1 : index
    %get3A_18 = arith.constant 0 : index
    %get3A_19 = arith.constant 0 : index
    %get3A_20 = vector.load %arg2[%get3A_17, %get3A_18, %get3A_19] : memref<2x1024x128xf32, #tpu.memory_space<vmem>>, vector<1x1024x128xf32>
    %get3A_21 = vector.shape_cast %get3A_20 : vector<1x1024x128xf32> to vector<1024x128xf32>
    %add3A_22 = arith.addf %get3A_16, %get3A_21 : vector<1024x128xf32>
    %get3A_23 = arith.constant 0 : index
    %get3A_24 = arith.constant 0 : index
    %get3A_25 = vector.load %arg3[%get3A_23, %get3A_24] : memref<1024x128xf32, #tpu.memory_space<vmem>>, vector<1024x128xf32>
    %add3A_26 = arith.addf %add3A_22, %get3A_25 : vector<1024x128xf32>
    %mul3A = vector.broadcast %rsqrt3A : vector<1024x1xf32> to vector<1024x128xf32>
    %mul3A_27 = arith.mulf %mul3A, %add3A_26 : vector<1024x128xf32>
    %get3A_28 = arith.constant 0 : index
    %get3A_29 = arith.constant 0 : index
    %get3A_30 = vector.load %arg4[%get3A_28, %get3A_29] : memref<1x128xf32, #tpu.memory_space<vmem>>, vector<1x128xf32>
    %add3A_31 = vector.broadcast %get3A_30 : vector<1x128xf32> to vector<1024x128xf32>
    %add3A_32 = arith.addf %mul3A_27, %add3A_31 : vector<1024x128xf32>
    %max3A = arith.constant 0.000000e+00 : f32
    %max3A_33 = vector.broadcast %max3A : f32 to vector<1024x128xf32>
    %max3A_34 = arith.maximumf %add3A_32, %max3A_33 : vector<1024x128xf32>
    %swap3A = arith.constant 0 : index
    %swap3A_35 = arith.constant 0 : index
    %swap3A_36 = vector.load %arg5[%swap3A, %swap3A_35] : memref<1024x128xf32, #tpu.memory_space<vmem>>, vector<1024x128xf32>
    tpu.vector_store %arg5[%swap3A, %swap3A_35], %max3A_34 {strides = array<i32>} : memref<1024x128xf32, #tpu.memory_space<vmem>>, vector<1024x128xf32>,
    return
  }
  func.func @transform_0(%arg0: i32) -> (i32, i32, i32) {
    %c0_i32 = arith.constant 0 : i32
    %c0_i32_0 = arith.constant 0 : i32
    %c0_i32_1 = arith.constant 0 : i32
    return %c0_i32, %arg0, %c0_i32_0 : i32, i32, i32
  }
  func.func @transform_1(%arg0: i32) -> (i32, i32, i32) {
    %c0_i32 = arith.constant 0 : i32
    %c0_i32_0 = arith.constant 0 : i32
    %c0_i32_1 = arith.constant 0 : i32
    return %c0_i32, %arg0, %c0_i32_0 : i32, i32, i32
  }
  func.func @transform_2(%arg0: i32) -> (i32, i32) {
    %c0_i32 = arith.constant 0 : i32
    %c0_i32_0 = arith.constant 0 : i32
    return %arg0, %c0_i32 : i32, i32
  }
  func.func @transform_3(%arg0: i32) -> (i32, i32) {
    %c0_i32 = arith.constant 0 : i32
    %c0_i32_0 = arith.constant 0 : i32
    %c0_i32_1 = arith.constant 0 : i32
    return %c0_i32, %c0_i32_0 : i32, i32
  }
  func.func @transform_4(%arg0: i32) -> (i32, i32) {
    %c0_i32 = arith.constant 0 : i32
    %c0_i32_0 = arith.constant 0 : i32
    return %arg0, %c0_i32 : i32, i32
  }
}

</mosaic_0001>

<sc_bundles>
// kernel: kernel.11.cloned.1.call-start
scs
__scs_entry_jumppad:
0x0: {  	(pc) =	sbr.rel $0x88, $3  }
0x1: {  	(tag) =	ssettag $0x0;
	lr =	simm.s32 $0x1  }
0x2: {  	[smem:$0x3F9B] =	sst lr;
	_ =	strace $0xD0000000  }
0x3: {  	_ = 	snop  }
0x4: {  	_ = 	snop  }
0x5: {  	_ = 	snop  }
0x6: {  	_ = 	snop  }
0x7: {  	_ = 	snop  }
__scs_overlays_trampoline_lowered:
0x8: {  	[smem:$0x3FAA] =	sst s0  }
0x9: {  	[smem:$0x3FAB] =	sst s1  }
0xa: {  	[smem:$0x3FAC] =	sst s2  }
0xb: {  	[smem:$0x3FAD] =	sst s3  }
0xc: {  	[smem:$0x3FAE] =	sst s4  }
0xd: {  	[smem:$0x3FAF] =	sst s5  }
0xe: {  	[smem:$0x3FB0] =	sst s6  }
0xf: {  	[smem:$0x3FB1] =	sst s7  }
0x10: {  	[smem:$0x3FB2] =	sst s8  }
0x11: {  	[smem:$0x3FB3] =	sst s9;
	s0 =	simm.s32 @!p0 $0x0  }
0x12: {  	s1 =	sld [smem:$0x3F99];
	s0 =	simm.s32 @p0 $0x1  }
0x13: {  	[smem:$0x3FB4] =	sst s0;
	s0 =	simm.s32 @!p1 $0x0  }
0x14: {  	s2 =	sld [smem:$0x3F98];
	s0 =	simm.s32 @p1 $0x1  }
0x15: {  	[smem:$0x3FB5] =	sst s0;
	s0 =	simm.s32 @!p2 $0x0  }
0x16: {  	s3 =	sld [smem:$0x3FDB];
	s0 =	simm.s32 @p2 $0x1  }
0x17: {  	s4 =	simm.s32 $0x1BF5;
	[smem:$0x3FB7] =	sst s0  }
0x18: {  	s0 =	sld [smem:$0x3F9A];
	_ =	swait.ge [sflag:s4], $0x0  }
0x19: {  	s7 =	sld [smem:$0x3F9B]  }
0x1a: {  	s8 =	sadd.s32 $0xFFFFE003, lr  }
0x1b: {  	s9 =	sadd.s32 $0xFFFFFEF7, lr;
	s5 =	simm.s32 $0xFFFFFFFF;
	p2 =	slt.u32 s8, $0xFFFFF086  }
0x1c: {  	p1 =	slt.u32 s9, $0xF7A;
	s5 =	simm.s32 @!p2 $0x0  }
0x1d: {  	s5 =	simm.s32 @p1 $0x1;
	p0 =	seq.s32 s7, s2  }
0x1e: {  	s7 =	smul.u32 @!p0 $0xF7A, s2;
	p2 =	seq.s32 @!p0 s5, $0x0  }
0x1f: {  	s9 =	smul.u32 $0xF7A, s1;
	s8 =	simm.s32 @!p0 $0x1BF5;
	p2 =	por !p2, p0  }
0x20: {  	[sflag:s8] =	ssyncset.s32 @!p0 $0xFFFFF086;
	s6 =	sadd.s32 @!p0 s3, s7;
	s7 =	simm.s32 @!p0 $0x108  }
0x21: {  	s3 =	sadd.s32 s3, s9;
	s6 =	sadd.s32 @!p0 $0x88, s6;
	s7 =	simm.s32 @p2 $0x1082  }
0x22: {  	[simem:s7], [sflag:s8] =	dma.local @!p0 [hbm:s6], $0xF7A  }
0x23: {  	s9 =	sor.u32 $0xD0000000, s2;
	s6 =	simm.s32 $0x108;
	_ =	swait.ge @!p0 [sflag:s8], $0x0  }
0x24: {  	s3 =	sadd.s32 $0x88, s3;
	s6 =	simm.s32 @!p1 $0x1082;
	[sflag:s4] =	ssyncset.s32 $0xFFFFF086  }
0x25: {  	[simem:s6], [sflag:s4] =	dma.local [hbm:s3], $0xF7A  }
0x26: {  	[smem:$0x3F9B] =	sst s1;
	(tag) =	ssettag s2;
	_ =	strace s9  }
0x27: {  	s1 =	sld [smem:$0x3FAB]  }
0x28: {  	s2 =	sld [smem:$0x3FAC]  }
0x29: {  	s4 =	sld [smem:$0x3FAE]  }
0x2a: {  	p0 =	seq.s32 s5, $0x0;
	s5 =	sld [smem:$0x3FAF]  }
0x2b: {  	s6 =	sld [smem:$0x3FB0]  }
0x2c: {  	s7 =	sld [smem:$0x3FB1]  }
0x2d: {  	s3 =	simm.s32 $0x108;
	s8 =	sld [smem:$0x3FB2]  }
0x2e: {  	s3 =	simm.s32 @!p0 $0x1082;
	s9 =	sld [smem:$0x3FB3]  }
0x2f: {  	lr =	sadd.s32 s0, s3;
	s0 =	sld [smem:$0x3FAA]  }
0x30: {  	s3 =	sld [smem:$0x3FAD]  }
0x31: {  	[smem:$0x3FB6] =	sst s10  }
0x32: {  	s10 =	sld [smem:$0x3FB4];
	_ =	sdelay $0x3  }
0x33: {  	p0 =	seq.s32 s10, $0x1;
	s10 =	sld [smem:$0x3FB6];
	_ =	sdelay $0x3  }
0x34: {  	[smem:$0x3FB6] =	sst s10  }
0x35: {  	s10 =	sld [smem:$0x3FB5];
	_ =	sdelay $0x3  }
0x36: {  	p1 =	seq.s32 s10, $0x1;
	s10 =	sld [smem:$0x3FB6];
	_ =	sdelay $0x3  }
0x37: {  	[smem:$0x3FB6] =	sst s10  }
0x38: {  	s10 =	sld [smem:$0x3FB7]  }
0x39: {  	_ = 	snop;
	(pc) =	sbr.ind lr, $3  }
0x3a: {  	_ = 	snop  }
0x3b: {  	_ = 	snop  }
0x3c: {  	p2 =	seq.s32 s10, $0x1;
	s10 =	sld [smem:$0x3FB6]  }
0x3d: {  	_ =	shalt  }
0x3e: {  	_ =	shalt  }
0x3f: {  	_ =	shalt  }
0x40: {  	_ =	shalt  }
0x41: {  	_ =	shalt  }
0x42: {  	_ =	shalt  }
0x43: {  	_ =	shalt  }
0x44: {  	_ =	shalt  }
0x45: {  	_ =	shalt  }
0x46: {  	_ =	shalt  }
0x47: {  	_ =	shalt  }
0x48: {  	_ =	shalt  }
0x49: {  	_ =	shalt  }
0x4a: {  	_ =	shalt  }
0x4b: {  	_ =	shalt  }
0x4c: {  	_ =	shalt  }
0x4d: {  	_ =	shalt  }
0x4e: {  	_ =	shalt  }
0x4f: {  	_ =	shalt  }
0x50: {  	_ =	shalt  }
0x51: {  	_ =	shalt  }
0x52: {  	_ =	shalt  }
0x53: {  	_ =	shalt  }
0x54: {  	_ =	shalt  }
0x55: {  	_ =	shalt  }
0x56: {  	_ =	shalt  }
0x57: {  	_ =	shalt  }
0x58: {  	_ =	shalt  }
0x59: {  	_ =	shalt  }
0x5a: {  	_ =	shalt  }
0x5b: {  	_ =	shalt  }
0x5c: {  	_ =	shalt  }
0x5d: {  	_ =	shalt  }
0x5e: {  	_ =	shalt  }
0x5f: {  	_ =	shalt  }
0x60: {  	_ =	shalt  }
0x61: {  	_ =	shalt  }
0x62: {  	_ =	shalt  }
0x63: {  	_ =	shalt  }
0x64: {  	_ =	shalt  }
0x65: {  	_ =	shalt  }
0x66: {  	_ =	shalt  }
0x67: {  	_ =	shalt  }
0x68: {  	_ =	shalt  }
0x69: {  	_ =	shalt  }
0x6a: {  	_ =	shalt  }
0x6b: {  	_ =	shalt  }
0x6c: {  	_ =	shalt  }
0x6d: {  	_ =	shalt  }
0x6e: {  	_ =	shalt  }
0x6f: {  	_ =	shalt  }
0x70: {  	_ =	shalt  }
0x71: {  	_ =	shalt  }
0x72: {  	_ =	shalt  }
0x73: {  	_ =	shalt  }
0x74: {  	_ =	shalt  }
0x75: {  	_ =	shalt  }
0x76: {  	_ =	shalt  }
0x77: {  	_ =	shalt  }
0x78: {  	_ =	shalt  }
0x79: {  	_ =	shalt  }
0x7a: {  	_ =	shalt  }
0x7b: {  	_ =	shalt  }
0x7c: {  	_ =	shalt  }
0x7d: {  	_ =	shalt  }
0x7e: {  	_ =	shalt  }
0x7f: {  	_ =	shalt  }
0x80: {  	_ =	shalt  }
0x81: {  	_ =	shalt  }
0x82: {  	_ =	shalt  }
0x83: {  	_ =	shalt  }
0x84: {  	_ =	shalt  }
0x85: {  	_ =	shalt  }
0x86: {  	_ =	shalt  }
0x87: {  	_ =	shalt  }
.Lfunc_end0:
.L_simem_size_0:
called_computation.1_lowered:
.L_overlay_start_0:
0x88: {  	s2 =	sld [smem:$0x3FD9]  }
0x89: {  	s3 =	sld [smem:$0x3FFE];
	_ =	sdelay $0x1  }
0x8a: {  	s1 =	srdreg.scid  }
0x8b: {  	s0 =	sand.u32 $0x1, s1  }
0x8c: {  	s17 =	sshll.u32 s0, $0xA;
	s2 =	sadd.s32 s3, s2  }
0x8d: {  	s2 =	sadd.s32 s2, s17  }
0x8e: {  	[smem:$0x3FC2] =	sst s2  }
0x8f: {  	_ = 	snop  }
0x90: {  	s2 =	sld [smem:$0x3FD0];
	(tm) =	ssettm $0x1  }
0x91: {  	s18 =	sld [smem:$0x3FFB];
	_ =	sdelay $0x3  }
0x92: {  	_ =	strace s18  }
0x93: {  	s3 =	sld [smem:$0x3FFC];
	_ =	sdelay $0x3  }
0x94: {  	_ =	strace s3  }
0x95: {  	s3 =	sld [smem:$0x3FFD];
	_ =	sdelay $0x3  }
0x96: {  	_ =	strace s3  }
0x97: {  	_ =	strace $0x8FFFFFFF  }
0x98: {  	s19 =	sld [smem:$0x3FDB];
	_ =	sdelay $0x1  }
0x99: {  	s4 =	simm.s32 $_scs_section_size  }
0x9a: {  	s5 =	simm.s32 $_size__tile_overlayer_lowered;
	s6 =	simm.s32 $_tile_overlayer_lowered  }
0x9b: {  	s22 =	simm.s32 $0x1BFF;
	s21 =	sshll.u32 s6, $0x1;
	s3 =	sadd.s32 s4, s19  }
0x9c: {  	s7 =	simm.s32 $0x0;
	s20 =	sshll.u32 s5, $0x1;
	s5 =	sadd.s32 s21, s3  }
0x9d: {  	[timem:s7], [sflag:s22] =	dma.local [hbm:s5], s20  }
0x9e: {  	_ =	swait.ge [sflag:s22], s20  }
0x9f: {  	s4 =	ssub.s32 $0x0, s20;
	[sflag:s22] =	ssyncset.done $0x0  }
0xa0: {  	[sflag:s22] =	ssyncadd.s32 s4;
	_ =	sdelay $0x1  }
0xa1: {  	s23 =	simm.s32 $0x1B8B  }
0xa2: {  	_ =	swait.ge [sflag:s23], $0x1  }
0xa3: {  	[sflag:s23] =	ssyncset.done $0x0  }
0xa4: {  	s25 =	simm.s32 $0x1B8E;
	s24 =	sld [smem:$0x3FFE];
	[sflag:s23] =	ssyncadd.s32 $0xFFFFFFFF  }
0xa5: {  	s26 =	simm.s32 $execute0_lowered;
	[smem:$0x3FD2] =	sst s25  }
0xa6: {  	s5 =	sshll.u32 s26, $0x1;
	_ =	strace $0x80000049;
	[dreg:$0x1] =	wrdreg $0xFFFFFFFF  }
0xa7: {  	s28 =	simm.s32 $_size_execute0_lowered;
	s3 =	sadd.s32 s3, s5;
	[dreg:$0x0] =	wrdreg $0x0  }
0xa8: {  	s5 =	sshll.u32 s28, $0x1;
	[dreg:$0x2] =	wrdreg s3  }
0xa9: {  	[dreg:$0x3] =	wrdreg s5  }
0xaa: {  	[dreg:$0x4] =	wrdreg $0xC0  }
0xab: {  	_ =	task [dreg:s7], $0x5FFFF  }
0xac: {  	[dreg:$0x1] =	wrdreg $0xFFFFFFFF  }
0xad: {  	[dreg:$0x0] =	wrdreg $0x60  }
0xae: {  	[dreg:$0x2] =	wrdreg s24  }
0xaf: {  	[dreg:$0x3] =	wrdreg s2  }
0xb0: {  	[dreg:$0x4] =	wrdreg $0x90000  }
0xb1: {  	[dreg:$0x5] =	wrdreg $0x9  }
0xb2: {  	_ =	task.clear_ibuf [dreg:s7], $0x6FFFF;
	_ =	strace $0x90000049  }
0xb3: {  	s29 =	simm.s32 $0x9;
	_ =	strace $0x8000004B  }
0xb4: {  	_ =	swait.ge [sflag:s29], $0x1  }
0xb5: {  	[sflag:s29] =	ssyncadd.s32 $0xFFFFFFFF  }
0xb6: {  	_ =	strace $0x9000004B  }
0xb7: {  	_ =	sfence  }
0xb8: {  	s30 =	sld [smem:$0x0];
	_ =	sdelay $0x2  }
0xb9: {  	s31 =	sshll.u32 s1, $0xD;
	s1 =	sshrl.u32 s1, $0x2  }
0xba: {  	s3 =	sand.u32 $0x4000, s31;
	s1 =	sadd.s32 s1, s30  }
0xbb: {  	s0 =	sor.u32 s3, s0;
	s1 =	sshll.u32 s1, $0x11  }
0xbc: {  	s0 =	sor.u32 s1, s0  }
0xbd: {  	s0 =	sadd.s32 $0x8F2B, s0  }
0xbe: {  	[sflag:s0] =	ssyncadd.remote.s32 $0x1  }
0xbf: {  	_ =	sfence.sel $0xFFFF  }
0xc0: {  	[dreg:$0x0] =	wrdreg $0xFFFFFFFF;
	(pc) =	sbr.abs _section_cstart, $3  }
0xc1: {  	[dreg:$0x1] =	wrdreg $0xFFFFFFFF  }
0xc2: {  	_ =	task.clear_ibuf [dreg:s7], $0x2FFFF;
	_ =	strace $0x9FFFFFFF  }
0xc3: {  	(tm) =	ssettm $0x7FFFFFFF  }
tec
execute0_lowered:
.L_overlay_start_1:
0x0: {  	(tag) =	ssettag $0x1  }
0x1: {  	s5 =	rddreg [dreg:$0x0]  }
0x2: {  	s0 =	srdreg.scid;
	s8 =	rddreg [dreg:$0x1]  }
0x3: {  	s2 =	rddreg [dreg:$0x2];
	s6 =	sand.u32 $0x1, s0  }
0x4: {  	s0 =	stileid.u32;
	s4 =	smul.u32 $0x28000, s6  }
0x5: {  	s1 =	rddreg [dreg:$0x3];
	s3 =	simm.s32 $0x0;
	s7 =	smul.u32 $0x2800, s0  }
0x6: {  	s16 =	simm.s32 $0x1;
	[smem:$0x7FF] =	sst s3;
	s28 =	smul.u32 $0x14000, s0  }
0x7: {  	s17 =	simm.s32 $0x0;
	_ =	strace $0x8000004A;
	s10 =	smul.u32 $0x140000, s6  }
0x8: {  	s6 =	ssub.s32 $0x2, s6;
	s29 =	smul.u32 $0x50000, s0;
	s31 =	sshll.u32 s0, $0x6  }
0x9: {  	s13 =	sshrl.u32 s6, $0x1;
	s4 =	sadd.s32 s7, s4;
	s12 =	sshrl.u32 s28, $0x3  }
0xa: {  	s7 =	sadd.s32 s28, s10;
	s13 =	ssub.s32 s6, s13;
	s30 =	sshrl.u32 s29, $0x2  }
0xb: {  	s6 =	sor.u32 $0x1C02, s31;
	s9 =	sshrl.u32 s4, $0x3;
	s4 =	sadd.s32 $0x2A600, s5  }
0xc: {  	s12 =	sadd.s32 s12, s5;
	s7 =	sshrl.u32 s7, $0x3;
	s15 =	sadd.s32 s30, s2  }
0xd: {  	s10 =	smax.u32 s13, $0x1;
	s13 =	simm.s32 $0x2800;
	s11 =	sadd.s32 s9, s5  }
0xe: {  	s14 =	sadd.s32 s7, s5;
	s5 =	sadd.s32 $0x2600, s12;
	s8 =	sadd.s32 s8, s9  }
0xf: {  	s12 =	simm.s32 $0x2;
	s7 =	sadd.s32 $0x7A600, s11;
	s9 =	sadd.s32 $0x84600, s14  }
0x10: {  	s11 =	sshrl.u32 s15, $0x3;
	s14 =	simm.s32 $0x80;
	s15 =	simm.s32 $0x5000  }
.LBB2_1:
0x11: {  	[spmem:s11], [sflag:s6] =	dma.local [hbm:s5], $0x2800  }
0x12: {  	_ =	swait.ge [sflag:s12], $0x2800  }
0x13: {  	[sflag:s12] =	ssyncset.done $0x0  }
0x14: {  	[sflag:s12] =	ssyncadd.s32 $0xFFFFD800  }
0x15: {  	[tilespmem:s3], [sflag:$0x2] =	stream.linear.gather [hbm4b:s7+s3], $0x2780, $0x38;
	[tilespmem:$0x1D000] =	vst v63  }
0x16: {  	_ =	swait.ge [sflag:s12], $0x2780  }
0x17: {  	[sflag:s12] =	ssyncset.done $0x0  }
0x18: {  	[sflag:s12] =	ssyncadd.s32 $0xFFFFD880  }
0x19: {  	[tilespmem:s13], [sflag:$0x2] =	stream.linear.gather [hbm4b:s8+s3], $0x2780, $0x38;
	[tilespmem:$0x1D000] =	vst v63  }
0x1a: {  	_ =	swait.ge [sflag:s12], $0x2780  }
0x1b: {  	[sflag:s12] =	ssyncset.done $0x0  }
0x1c: {  	[sflag:s12] =	ssyncadd.s32 $0xFFFFD880  }
0x1d: {  	s18 =	simm.s32 $0x0;
	[bflag:$0x0] =	sbarrier.arrive $0xFFFF  }
0x1e: {  	[tilespmem:s15], [sflag:$0x1] =	stream.indirect.gather [hbm4b:s4+s14], $0x80, s18, s14, $0xb8;
	[tilespmem:$0x1D000] =	vst v63  }
0x1f: {  	_ =	swait.ge [sflag:s16], $0x4000  }
0x20: {  	[sflag:s16] =	ssyncset.done $0x0  }
0x21: {  	s31 =	simm.s32 $0x2800;
	[sflag:s16] =	ssyncadd.s32 $0xFFFFC000  }
0x22: {  	[spmem:s2] =	stream.indirect.scatter.add.f32 [tilespmem:s15], [sflag:$0x2], $0x80, s31, s14, $0xb8;
	[tilespmem:$0x1D000] =	vst v63  }
0x23: {  	_ =	swait.ge [sflag:s12], $0x4000  }
0x24: {  	s19 =	simm.s32 $0x400;
	s18 =	simm.s32 $0x200;
	[sflag:s12] =	ssyncset.done $0x0  }
.LBB2_2:
0x25: {  	s20 =	sshra.s32 s18, $0x2  }
0x26: {  	[sflag:s12] =	ssyncadd.s32 $0xFFFFC000;
	s18 =	smov.u32 s19;
	s21 =	sadd.s32 $0x200, s19  }
0x27: {  	[tilespmem:s15], [sflag:$0x1] =	stream.indirect.gather [hbm4b:s4+s14], $0x80, s20, s14, $0xb8;
	[tilespmem:$0x1D000] =	vst v63  }
0x28: {  	p0 =	sne.s32 s19, $0x9C00;
	_ =	swait.ge [sflag:s16], $0x4000  }
.Ltmp0:
0x29: {  	[sflag:s16] =	ssyncset.done $0x0;
	(pc) =	sbr.rel @p0 .LBB2_2-.Ltmp0, $4  }
0x2a: {  	s19 =	sadd.s32 $0x2800, s20;
	[sflag:s16] =	ssyncadd.s32 $0xFFFFC000  }
0x2b: {  	[spmem:s2] =	stream.indirect.scatter.add.f32 [tilespmem:s15], [sflag:$0x2], $0x80, s19, s14, $0xb8;
	[tilespmem:$0x1D000] =	vst v63  }
0x2c: {  	_ =	swait.ge [sflag:s12], $0x4000  }
0x2d: {  	s19 =	smov.u32 s21;
	[sflag:s12] =	ssyncset.done $0x0  }
0x2e: {  	s18 =	sshra.s32 s18, $0x2;
	[sflag:s12] =	ssyncadd.s32 $0xFFFFC000  }
0x2f: {  	[tilespmem:s15], [sflag:$0x1] =	stream.indirect.gather [hbm4b:s4+s14], $0x80, s18, s14, $0xb8;
	[tilespmem:$0x1D000] =	vst v63  }
0x30: {  	_ =	swait.ge [sflag:s16], $0x4000  }
0x31: {  	[sflag:s16] =	ssyncset.done $0x0  }
0x32: {  	s18 =	sadd.s32 $0x2800, s18;
	[sflag:s16] =	ssyncadd.s32 $0xFFFFC000  }
0x33: {  	[spmem:s2] =	stream.indirect.scatter.add.f32 [tilespmem:s15], [sflag:$0x2], $0x80, s18, s14, $0xb8;
	[tilespmem:$0x1D000] =	vst v63  }
0x34: {  	_ =	swait.ge [sflag:s12], $0x4000  }
0x35: {  	s17 =	sadd.s32 $0x1, s17;
	[sflag:s12] =	ssyncset.done $0x0  }
0x36: {  	p0 =	sne.s32 s17, s10;
	[sflag:s12] =	ssyncadd.s32 $0xFFFFC000  }
.Ltmp1:
0x37: {  	[bflag:$0x0] =	sbarrier.arrive $0xFFFF;
	(pc) =	sbr.rel @p0 .LBB2_1-.Ltmp1, $4  }
0x38: {  	[hbm:s9], [sflag:s6] =	dma.local [spmem:s11], $0x2800  }
0x39: {  	_ =	swait.ge [sflag:s12], $0x2800  }
0x3a: {  	[sflag:s12] =	ssyncset.done $0x0  }
0x3b: {  	[sflag:s12] =	ssyncadd.s32 $0xFFFFD800  }
0x3c: {  	_ =	sfence.sel $0x180000  }
0x3d: {  	[bflag:$0x0] =	sbarrier.arrive $0xFFFF  }
0x3e: {  	p0 =	sne.s32 s0, $0x0;
	_ =	strace $0x9000004A  }
0x3f: {  	s0 =	sadd.s32 @!p0 $0x100000, s1;
	[bflag:$0x2] =	sbarrier.arrive $0xFFFF  }
0x40: {  	[sflag:s0] =	ssyncadd.tile.s32 @!p0 $0x1;
	_ =	shalt  }
.Lfunc_end2:
_tile_overlayer_lowered:
.L_overlay_start_2:
0x41: {  	(tag) =	ssettag $0x2  }
0x42: {  	s0 =	rddreg [dreg:$0x0];
	s2 =	stileid.u32  }
0x43: {  	s1 =	rddreg [dreg:$0x1];
	p0 =	sne.s32 s2, $0x0  }
0x44: {  	s3 =	rddreg [dreg:$0x2];
	[bflag:$0x3] =	sbarrier.arrive $0xFFFF;
	s2 =	simm.s32 @!p0 $0x1C02  }
0x45: {  	[timem:s3], [sflag:s2] =	dma.local @!p0 [hbm:s0], s1  }
0x46: {  	s0 =	simm.s32 @!p0 $0x2  }
0x47: {  	_ =	swait.ge @!p0 [sflag:s0], s1  }
0x48: {  	s1 =	ssub.s32 @!p0 $0x0, s1;
	[sflag:s0] =	ssyncset.done @!p0 $0x0  }
0x49: {  	[sflag:s0] =	ssyncadd.s32 @!p0 s1  }
0x4a: {  	[bflag:$0x3] =	sbarrier.arrive $0xFFFF  }
0x4b: {  	_ =	shalt  }

// kernel: kernel.14.cloned.1.call-start
scs
__scs_entry_jumppad:
0x0: {  	(pc) =	sbr.rel $0x88, $3  }
0x1: {  	(tag) =	ssettag $0x0;
	lr =	simm.s32 $0x1  }
0x2: {  	[smem:$0x3F9B] =	sst lr;
	_ =	strace $0xD0000000  }
0x3: {  	_ = 	snop  }
0x4: {  	_ = 	snop  }
0x5: {  	_ = 	snop  }
0x6: {  	_ = 	snop  }
0x7: {  	_ = 	snop  }
__scs_overlays_trampoline_lowered:
0x8: {  	[smem:$0x3FAA] =	sst s0  }
0x9: {  	[smem:$0x3FAB] =	sst s1  }
0xa: {  	[smem:$0x3FAC] =	sst s2  }
0xb: {  	[smem:$0x3FAD] =	sst s3  }
0xc: {  	[smem:$0x3FAE] =	sst s4  }
0xd: {  	[smem:$0x3FAF] =	sst s5  }
0xe: {  	[smem:$0x3FB0] =	sst s6  }
0xf: {  	[smem:$0x3FB1] =	sst s7  }
0x10: {  	[smem:$0x3FB2] =	sst s8  }
0x11: {  	[smem:$0x3FB3] =	sst s9;
	s0 =	simm.s32 @!p0 $0x0  }
0x12: {  	s1 =	sld [smem:$0x3F99];
	s0 =	simm.s32 @p0 $0x1  }
0x13: {  	[smem:$0x3FB4] =	sst s0;
	s0 =	simm.s32 @!p1 $0x0  }
0x14: {  	s2 =	sld [smem:$0x3F98];
	s0 =	simm.s32 @p1 $0x1  }
0x15: {  	[smem:$0x3FB5] =	sst s0;
	s0 =	simm.s32 @!p2 $0x0  }
0x16: {  	s3 =	sld [smem:$0x3FDB];
	s0 =	simm.s32 @p2 $0x1  }
0x17: {  	s4 =	simm.s32 $0x1BF5;
	[smem:$0x3FB7] =	sst s0  }
0x18: {  	s0 =	sld [smem:$0x3F9A];
	_ =	swait.ge [sflag:s4], $0x0  }
0x19: {  	s7 =	sld [smem:$0x3F9B]  }
0x1a: {  	s8 =	sadd.s32 $0xFFFFE003, lr  }
0x1b: {  	s9 =	sadd.s32 $0xFFFFFEF7, lr;
	s5 =	simm.s32 $0xFFFFFFFF;
	p2 =	slt.u32 s8, $0xFFFFF086  }
0x1c: {  	p1 =	slt.u32 s9, $0xF7A;
	s5 =	simm.s32 @!p2 $0x0  }
0x1d: {  	s5 =	simm.s32 @p1 $0x1;
	p0 =	seq.s32 s7, s2  }
0x1e: {  	s7 =	smul.u32 @!p0 $0xF7A, s2;
	p2 =	seq.s32 @!p0 s5, $0x0  }
0x1f: {  	s9 =	smul.u32 $0xF7A, s1;
	s8 =	simm.s32 @!p0 $0x1BF5;
	p2 =	por !p2, p0  }
0x20: {  	[sflag:s8] =	ssyncset.s32 @!p0 $0xFFFFF086;
	s6 =	sadd.s32 @!p0 s3, s7;
	s7 =	simm.s32 @!p0 $0x108  }
0x21: {  	s3 =	sadd.s32 s3, s9;
	s6 =	sadd.s32 @!p0 $0x88, s6;
	s7 =	simm.s32 @p2 $0x1082  }
0x22: {  	[simem:s7], [sflag:s8] =	dma.local @!p0 [hbm:s6], $0xF7A  }
0x23: {  	s9 =	sor.u32 $0xD0000000, s2;
	s6 =	simm.s32 $0x108;
	_ =	swait.ge @!p0 [sflag:s8], $0x0  }
0x24: {  	s3 =	sadd.s32 $0x88, s3;
	s6 =	simm.s32 @!p1 $0x1082;
	[sflag:s4] =	ssyncset.s32 $0xFFFFF086  }
0x25: {  	[simem:s6], [sflag:s4] =	dma.local [hbm:s3], $0xF7A  }
0x26: {  	[smem:$0x3F9B] =	sst s1;
	(tag) =	ssettag s2;
	_ =	strace s9  }
0x27: {  	s1 =	sld [smem:$0x3FAB]  }
0x28: {  	s2 =	sld [smem:$0x3FAC]  }
0x29: {  	s4 =	sld [smem:$0x3FAE]  }
0x2a: {  	p0 =	seq.s32 s5, $0x0;
	s5 =	sld [smem:$0x3FAF]  }
0x2b: {  	s6 =	sld [smem:$0x3FB0]  }
0x2c: {  	s7 =	sld [smem:$0x3FB1]  }
0x2d: {  	s3 =	simm.s32 $0x108;
	s8 =	sld [smem:$0x3FB2]  }
0x2e: {  	s3 =	simm.s32 @!p0 $0x1082;
	s9 =	sld [smem:$0x3FB3]  }
0x2f: {  	lr =	sadd.s32 s0, s3;
	s0 =	sld [smem:$0x3FAA]  }
0x30: {  	s3 =	sld [smem:$0x3FAD]  }
0x31: {  	[smem:$0x3FB6] =	sst s10  }
0x32: {  	s10 =	sld [smem:$0x3FB4];
	_ =	sdelay $0x3  }
0x33: {  	p0 =	seq.s32 s10, $0x1;
	s10 =	sld [smem:$0x3FB6];
	_ =	sdelay $0x3  }
0x34: {  	[smem:$0x3FB6] =	sst s10  }
0x35: {  	s10 =	sld [smem:$0x3FB5];
	_ =	sdelay $0x3  }
0x36: {  	p1 =	seq.s32 s10, $0x1;
	s10 =	sld [smem:$0x3FB6];
	_ =	sdelay $0x3  }
0x37: {  	[smem:$0x3FB6] =	sst s10  }
0x38: {  	s10 =	sld [smem:$0x3FB7]  }
0x39: {  	_ = 	snop;
	(pc) =	sbr.ind lr, $3  }
0x3a: {  	_ = 	snop  }
0x3b: {  	_ = 	snop  }
0x3c: {  	p2 =	seq.s32 s10, $0x1;
	s10 =	sld [smem:$0x3FB6]  }
0x3d: {  	_ =	shalt  }
0x3e: {  	_ =	shalt  }
0x3f: {  	_ =	shalt  }
0x40: {  	_ =	shalt  }
0x41: {  	_ =	shalt  }
0x42: {  	_ =	shalt  }
0x43: {  	_ =	shalt  }
0x44: {  	_ =	shalt  }
0x45: {  	_ =	shalt  }
0x46: {  	_ =	shalt  }
0x47: {  	_ =	shalt  }
0x48: {  	_ =	shalt  }
0x49: {  	_ =	shalt  }
0x4a: {  	_ =	shalt  }
0x4b: {  	_ =	shalt  }
0x4c: {  	_ =	shalt  }
0x4d: {  	_ =	shalt  }
0x4e: {  	_ =	shalt  }
0x4f: {  	_ =	shalt  }
0x50: {  	_ =	shalt  }
0x51: {  	_ =	shalt  }
0x52: {  	_ =	shalt  }
0x53: {  	_ =	shalt  }
0x54: {  	_ =	shalt  }
0x55: {  	_ =	shalt  }
0x56: {  	_ =	shalt  }
0x57: {  	_ =	shalt  }
0x58: {  	_ =	shalt  }
0x59: {  	_ =	shalt  }
0x5a: {  	_ =	shalt  }
0x5b: {  	_ =	shalt  }
0x5c: {  	_ =	shalt  }
0x5d: {  	_ =	shalt  }
0x5e: {  	_ =	shalt  }
0x5f: {  	_ =	shalt  }
0x60: {  	_ =	shalt  }
0x61: {  	_ =	shalt  }
0x62: {  	_ =	shalt  }
0x63: {  	_ =	shalt  }
0x64: {  	_ =	shalt  }
0x65: {  	_ =	shalt  }
0x66: {  	_ =	shalt  }
0x67: {  	_ =	shalt  }
0x68: {  	_ =	shalt  }
0x69: {  	_ =	shalt  }
0x6a: {  	_ =	shalt  }
0x6b: {  	_ =	shalt  }
0x6c: {  	_ =	shalt  }
0x6d: {  	_ =	shalt  }
0x6e: {  	_ =	shalt  }
0x6f: {  	_ =	shalt  }
0x70: {  	_ =	shalt  }
0x71: {  	_ =	shalt  }
0x72: {  	_ =	shalt  }
0x73: {  	_ =	shalt  }
0x74: {  	_ =	shalt  }
0x75: {  	_ =	shalt  }
0x76: {  	_ =	shalt  }
0x77: {  	_ =	shalt  }
0x78: {  	_ =	shalt  }
0x79: {  	_ =	shalt  }
0x7a: {  	_ =	shalt  }
0x7b: {  	_ =	shalt  }
0x7c: {  	_ =	shalt  }
0x7d: {  	_ =	shalt  }
0x7e: {  	_ =	shalt  }
0x7f: {  	_ =	shalt  }
0x80: {  	_ =	shalt  }
0x81: {  	_ =	shalt  }
0x82: {  	_ =	shalt  }
0x83: {  	_ =	shalt  }
0x84: {  	_ =	shalt  }
0x85: {  	_ =	shalt  }
0x86: {  	_ =	shalt  }
0x87: {  	_ =	shalt  }
.Lfunc_end0:
.L_simem_size_0:
called_computation.2_lowered:
.L_overlay_start_0:
0x88: {  	s2 =	sld [smem:$0x3FD9]  }
0x89: {  	s3 =	sld [smem:$0x3FFE];
	_ =	sdelay $0x1  }
0x8a: {  	s1 =	srdreg.scid  }
0x8b: {  	s0 =	sand.u32 $0x1, s1  }
0x8c: {  	s17 =	sshll.u32 s0, $0xA;
	s2 =	sadd.s32 s3, s2  }
0x8d: {  	s2 =	sadd.s32 s2, s17  }
0x8e: {  	[smem:$0x3FC2] =	sst s2  }
0x8f: {  	_ = 	snop  }
0x90: {  	s2 =	sld [smem:$0x3FD0];
	(tm) =	ssettm $0x1  }
0x91: {  	s18 =	sld [smem:$0x3FFB];
	_ =	sdelay $0x3  }
0x92: {  	_ =	strace s18  }
0x93: {  	s3 =	sld [smem:$0x3FFC];
	_ =	sdelay $0x3  }
0x94: {  	_ =	strace s3  }
0x95: {  	s3 =	sld [smem:$0x3FFD];
	_ =	sdelay $0x3  }
0x96: {  	_ =	strace s3  }
0x97: {  	_ =	strace $0x8FFFFFFF  }
0x98: {  	s19 =	sld [smem:$0x3FDB];
	_ =	sdelay $0x1  }
0x99: {  	s4 =	simm.s32 $_scs_section_size  }
0x9a: {  	s5 =	simm.s32 $_size__tile_overlayer_lowered;
	s6 =	simm.s32 $_tile_overlayer_lowered  }
0x9b: {  	s22 =	simm.s32 $0x1BFF;
	s21 =	sshll.u32 s6, $0x1;
	s3 =	sadd.s32 s4, s19  }
0x9c: {  	s7 =	simm.s32 $0x0;
	s20 =	sshll.u32 s5, $0x1;
	s5 =	sadd.s32 s21, s3  }
0x9d: {  	[timem:s7], [sflag:s22] =	dma.local [hbm:s5], s20  }
0x9e: {  	_ =	swait.ge [sflag:s22], s20  }
0x9f: {  	s4 =	ssub.s32 $0x0, s20;
	[sflag:s22] =	ssyncset.done $0x0  }
0xa0: {  	[sflag:s22] =	ssyncadd.s32 s4;
	_ =	sdelay $0x1  }
0xa1: {  	s23 =	simm.s32 $0x1B8B  }
0xa2: {  	_ =	swait.ge [sflag:s23], $0x1  }
0xa3: {  	[sflag:s23] =	ssyncset.done $0x0  }
0xa4: {  	s25 =	simm.s32 $0x1B8E;
	s24 =	sld [smem:$0x3FFE];
	[sflag:s23] =	ssyncadd.s32 $0xFFFFFFFF  }
0xa5: {  	s26 =	simm.s32 $execute0_lowered;
	[smem:$0x3FD2] =	sst s25  }
0xa6: {  	s5 =	sshll.u32 s26, $0x1;
	_ =	strace $0x8000004C;
	[dreg:$0x1] =	wrdreg $0xFFFFFFFF  }
0xa7: {  	s28 =	simm.s32 $_size_execute0_lowered;
	s3 =	sadd.s32 s3, s5;
	[dreg:$0x0] =	wrdreg $0x0  }
0xa8: {  	s5 =	sshll.u32 s28, $0x1;
	[dreg:$0x2] =	wrdreg s3  }
0xa9: {  	[dreg:$0x3] =	wrdreg s5  }
0xaa: {  	[dreg:$0x4] =	wrdreg $0xC0  }
0xab: {  	_ =	task [dreg:s7], $0x5FFFF  }
0xac: {  	[dreg:$0x1] =	wrdreg $0xFFFFFFFF  }
0xad: {  	[dreg:$0x0] =	wrdreg $0x60  }
0xae: {  	[dreg:$0x2] =	wrdreg s24  }
0xaf: {  	[dreg:$0x3] =	wrdreg s2  }
0xb0: {  	[dreg:$0x4] =	wrdreg $0x90000  }
0xb1: {  	[dreg:$0x5] =	wrdreg $0x9  }
0xb2: {  	_ =	task.clear_ibuf [dreg:s7], $0x6FFFF;
	_ =	strace $0x9000004C  }
0xb3: {  	s29 =	simm.s32 $0x9;
	_ =	strace $0x8000004E  }
0xb4: {  	_ =	swait.ge [sflag:s29], $0x1  }
0xb5: {  	[sflag:s29] =	ssyncadd.s32 $0xFFFFFFFF  }
0xb6: {  	_ =	strace $0x9000004E  }
0xb7: {  	_ =	sfence  }
0xb8: {  	s30 =	sld [smem:$0x0];
	_ =	sdelay $0x2  }
0xb9: {  	s31 =	sshll.u32 s1, $0xD;
	s1 =	sshrl.u32 s1, $0x2  }
0xba: {  	s3 =	sand.u32 $0x4000, s31;
	s1 =	sadd.s32 s1, s30  }
0xbb: {  	s0 =	sor.u32 s3, s0;
	s1 =	sshll.u32 s1, $0x11  }
0xbc: {  	s0 =	sor.u32 s1, s0  }
0xbd: {  	s0 =	sadd.s32 $0x8F2B, s0  }
0xbe: {  	[sflag:s0] =	ssyncadd.remote.s32 $0x1  }
0xbf: {  	_ =	sfence.sel $0xFFFF  }
0xc0: {  	[dreg:$0x0] =	wrdreg $0xFFFFFFFF;
	(pc) =	sbr.abs _section_cstart, $3  }
0xc1: {  	[dreg:$0x1] =	wrdreg $0xFFFFFFFF  }
0xc2: {  	_ =	task.clear_ibuf [dreg:s7], $0x2FFFF;
	_ =	strace $0x9FFFFFFF  }
0xc3: {  	(tm) =	ssettm $0x7FFFFFFF  }
tec
execute0_lowered:
.L_overlay_start_1:
0x0: {  	(tag) =	ssettag $0x1  }
0x1: {  	s5 =	rddreg [dreg:$0x0]  }
0x2: {  	s0 =	srdreg.scid;
	s8 =	rddreg [dreg:$0x1]  }
0x3: {  	s2 =	rddreg [dreg:$0x2];
	s6 =	sand.u32 $0x1, s0  }
0x4: {  	s0 =	stileid.u32;
	s4 =	smul.u32 $0x28000, s6  }
0x5: {  	s1 =	rddreg [dreg:$0x3];
	s3 =	simm.s32 $0x0;
	s7 =	smul.u32 $0x2800, s0  }
0x6: {  	s16 =	simm.s32 $0x1;
	[smem:$0x7FF] =	sst s3;
	s28 =	smul.u32 $0x14000, s0  }
0x7: {  	s17 =	simm.s32 $0x0;
	_ =	strace $0x8000004D;
	s10 =	smul.u32 $0x140000, s6  }
0x8: {  	s6 =	ssub.s32 $0x2, s6;
	s29 =	smul.u32 $0x50000, s0;
	s31 =	sshll.u32 s0, $0x6  }
0x9: {  	s13 =	sshrl.u32 s6, $0x1;
	s4 =	sadd.s32 s7, s4;
	s12 =	sshrl.u32 s28, $0x3  }
0xa: {  	s7 =	sadd.s32 s28, s10;
	s13 =	ssub.s32 s6, s13;
	s30 =	sshrl.u32 s29, $0x2  }
0xb: {  	s6 =	sor.u32 $0x1C02, s31;
	s9 =	sshrl.u32 s4, $0x3;
	s4 =	sadd.s32 $0x2A600, s5  }
0xc: {  	s12 =	sadd.s32 s12, s5;
	s7 =	sshrl.u32 s7, $0x3;
	s15 =	sadd.s32 s30, s2  }
0xd: {  	s10 =	smax.u32 s13, $0x1;
	s13 =	simm.s32 $0x2800;
	s11 =	sadd.s32 s9, s5  }
0xe: {  	s14 =	sadd.s32 s7, s5;
	s5 =	sadd.s32 $0x2600, s12;
	s8 =	sadd.s32 s8, s9  }
0xf: {  	s12 =	simm.s32 $0x2;
	s7 =	sadd.s32 $0x7A600, s11;
	s9 =	sadd.s32 $0x84600, s14  }
0x10: {  	s11 =	sshrl.u32 s15, $0x3;
	s14 =	simm.s32 $0x80;
	s15 =	simm.s32 $0x5000  }
.LBB2_1:
0x11: {  	[spmem:s11], [sflag:s6] =	dma.local [hbm:s5], $0x2800  }
0x12: {  	_ =	swait.ge [sflag:s12], $0x2800  }
0x13: {  	[sflag:s12] =	ssyncset.done $0x0  }
0x14: {  	[sflag:s12] =	ssyncadd.s32 $0xFFFFD800  }
0x15: {  	[tilespmem:s3], [sflag:$0x2] =	stream.linear.gather [hbm4b:s7+s3], $0x2780, $0x38;
	[tilespmem:$0x1D000] =	vst v63  }
0x16: {  	_ =	swait.ge [sflag:s12], $0x2780  }
0x17: {  	[sflag:s12] =	ssyncset.done $0x0  }
0x18: {  	[sflag:s12] =	ssyncadd.s32 $0xFFFFD880  }
0x19: {  	[tilespmem:s13], [sflag:$0x2] =	stream.linear.gather [hbm4b:s8+s3], $0x2780, $0x38;
	[tilespmem:$0x1D000] =	vst v63  }
0x1a: {  	_ =	swait.ge [sflag:s12], $0x2780  }
0x1b: {  	[sflag:s12] =	ssyncset.done $0x0  }
0x1c: {  	[sflag:s12] =	ssyncadd.s32 $0xFFFFD880  }
0x1d: {  	s18 =	simm.s32 $0x0;
	[bflag:$0x0] =	sbarrier.arrive $0xFFFF  }
0x1e: {  	[tilespmem:s15], [sflag:$0x1] =	stream.indirect.gather [hbm4b:s4+s14], $0x80, s18, s14, $0xb8;
	[tilespmem:$0x1D000] =	vst v63  }
0x1f: {  	_ =	swait.ge [sflag:s16], $0x4000  }
0x20: {  	[sflag:s16] =	ssyncset.done $0x0  }
0x21: {  	s31 =	simm.s32 $0x2800;
	[sflag:s16] =	ssyncadd.s32 $0xFFFFC000  }
0x22: {  	[spmem:s2] =	stream.indirect.scatter.add.f32 [tilespmem:s15], [sflag:$0x2], $0x80, s31, s14, $0xb8;
	[tilespmem:$0x1D000] =	vst v63  }
0x23: {  	_ =	swait.ge [sflag:s12], $0x4000  }
0x24: {  	s19 =	simm.s32 $0x400;
	s18 =	simm.s32 $0x200;
	[sflag:s12] =	ssyncset.done $0x0  }
.LBB2_2:
0x25: {  	s20 =	sshra.s32 s18, $0x2  }
0x26: {  	[sflag:s12] =	ssyncadd.s32 $0xFFFFC000;
	s18 =	smov.u32 s19;
	s21 =	sadd.s32 $0x200, s19  }
0x27: {  	[tilespmem:s15], [sflag:$0x1] =	stream.indirect.gather [hbm4b:s4+s14], $0x80, s20, s14, $0xb8;
	[tilespmem:$0x1D000] =	vst v63  }
0x28: {  	p0 =	sne.s32 s19, $0x9C00;
	_ =	swait.ge [sflag:s16], $0x4000  }
.Ltmp0:
0x29: {  	[sflag:s16] =	ssyncset.done $0x0;
	(pc) =	sbr.rel @p0 .LBB2_2-.Ltmp0, $4  }
0x2a: {  	s19 =	sadd.s32 $0x2800, s20;
	[sflag:s16] =	ssyncadd.s32 $0xFFFFC000  }
0x2b: {  	[spmem:s2] =	stream.indirect.scatter.add.f32 [tilespmem:s15], [sflag:$0x2], $0x80, s19, s14, $0xb8;
	[tilespmem:$0x1D000] =	vst v63  }
0x2c: {  	_ =	swait.ge [sflag:s12], $0x4000  }
0x2d: {  	s19 =	smov.u32 s21;
	[sflag:s12] =	ssyncset.done $0x0  }
0x2e: {  	s18 =	sshra.s32 s18, $0x2;
	[sflag:s12] =	ssyncadd.s32 $0xFFFFC000  }
0x2f: {  	[tilespmem:s15], [sflag:$0x1] =	stream.indirect.gather [hbm4b:s4+s14], $0x80, s18, s14, $0xb8;
	[tilespmem:$0x1D000] =	vst v63  }
0x30: {  	_ =	swait.ge [sflag:s16], $0x4000  }
0x31: {  	[sflag:s16] =	ssyncset.done $0x0  }
0x32: {  	s18 =	sadd.s32 $0x2800, s18;
	[sflag:s16] =	ssyncadd.s32 $0xFFFFC000  }
0x33: {  	[spmem:s2] =	stream.indirect.scatter.add.f32 [tilespmem:s15], [sflag:$0x2], $0x80, s18, s14, $0xb8;
	[tilespmem:$0x1D000] =	vst v63  }
0x34: {  	_ =	swait.ge [sflag:s12], $0x4000  }
0x35: {  	s17 =	sadd.s32 $0x1, s17;
	[sflag:s12] =	ssyncset.done $0x0  }
0x36: {  	p0 =	sne.s32 s17, s10;
	[sflag:s12] =	ssyncadd.s32 $0xFFFFC000  }
.Ltmp1:
0x37: {  	[bflag:$0x0] =	sbarrier.arrive $0xFFFF;
	(pc) =	sbr.rel @p0 .LBB2_1-.Ltmp1, $4  }
0x38: {  	[hbm:s9], [sflag:s6] =	dma.local [spmem:s11], $0x2800  }
0x39: {  	_ =	swait.ge [sflag:s12], $0x2800  }
0x3a: {  	[sflag:s12] =	ssyncset.done $0x0  }
0x3b: {  	[sflag:s12] =	ssyncadd.s32 $0xFFFFD800  }
0x3c: {  	_ =	sfence.sel $0x180000  }
0x3d: {  	[bflag:$0x0] =	sbarrier.arrive $0xFFFF  }
0x3e: {  	p0 =	sne.s32 s0, $0x0;
	_ =	strace $0x9000004D  }
0x3f: {  	s0 =	sadd.s32 @!p0 $0x100000, s1;
	[bflag:$0x2] =	sbarrier.arrive $0xFFFF  }
0x40: {  	[sflag:s0] =	ssyncadd.tile.s32 @!p0 $0x1;
	_ =	shalt  }
.Lfunc_end2:
_tile_overlayer_lowered:
.L_overlay_start_2:
0x41: {  	(tag) =	ssettag $0x2  }
0x42: {  	s0 =	rddreg [dreg:$0x0];
	s2 =	stileid.u32  }
0x43: {  	s1 =	rddreg [dreg:$0x1];
	p0 =	sne.s32 s2, $0x0  }
0x44: {  	s3 =	rddreg [dreg:$0x2];
	[bflag:$0x3] =	sbarrier.arrive $0xFFFF;
	s2 =	simm.s32 @!p0 $0x1C02  }
0x45: {  	[timem:s3], [sflag:s2] =	dma.local @!p0 [hbm:s0], s1  }
0x46: {  	s0 =	simm.s32 @!p0 $0x2  }
0x47: {  	_ =	swait.ge @!p0 [sflag:s0], s1  }
0x48: {  	s1 =	ssub.s32 @!p0 $0x0, s1;
	[sflag:s0] =	ssyncset.done @!p0 $0x0  }
0x49: {  	[sflag:s0] =	ssyncadd.s32 @!p0 s1  }
0x4a: {  	[bflag:$0x3] =	sbarrier.arrive $0xFFFF  }
0x4b: {  	_ =	shalt  }

// kernel: kernel.8.cloned.1.call-start
scs
__scs_entry_jumppad:
0x0: {  	(pc) =	sbr.rel $0x88, $3  }
0x1: {  	(tag) =	ssettag $0x0;
	lr =	simm.s32 $0x1  }
0x2: {  	[smem:$0x3F9B] =	sst lr;
	_ =	strace $0xD0000000  }
0x3: {  	_ = 	snop  }
0x4: {  	_ = 	snop  }
0x5: {  	_ = 	snop  }
0x6: {  	_ = 	snop  }
0x7: {  	_ = 	snop  }
__scs_overlays_trampoline_lowered:
0x8: {  	[smem:$0x3FAA] =	sst s0  }
0x9: {  	[smem:$0x3FAB] =	sst s1  }
0xa: {  	[smem:$0x3FAC] =	sst s2  }
0xb: {  	[smem:$0x3FAD] =	sst s3  }
0xc: {  	[smem:$0x3FAE] =	sst s4  }
0xd: {  	[smem:$0x3FAF] =	sst s5  }
0xe: {  	[smem:$0x3FB0] =	sst s6  }
0xf: {  	[smem:$0x3FB1] =	sst s7  }
0x10: {  	[smem:$0x3FB2] =	sst s8  }
0x11: {  	[smem:$0x3FB3] =	sst s9;
	s0 =	simm.s32 @!p0 $0x0  }
0x12: {  	s1 =	sld [smem:$0x3F99];
	s0 =	simm.s32 @p0 $0x1  }
0x13: {  	[smem:$0x3FB4] =	sst s0;
	s0 =	simm.s32 @!p1 $0x0  }
0x14: {  	s2 =	sld [smem:$0x3F98];
	s0 =	simm.s32 @p1 $0x1  }
0x15: {  	[smem:$0x3FB5] =	sst s0;
	s0 =	simm.s32 @!p2 $0x0  }
0x16: {  	s3 =	sld [smem:$0x3FDB];
	s0 =	simm.s32 @p2 $0x1  }
0x17: {  	s4 =	simm.s32 $0x1BF5;
	[smem:$0x3FB7] =	sst s0  }
0x18: {  	s0 =	sld [smem:$0x3F9A];
	_ =	swait.ge [sflag:s4], $0x0  }
0x19: {  	s7 =	sld [smem:$0x3F9B]  }
0x1a: {  	s8 =	sadd.s32 $0xFFFFE003, lr  }
0x1b: {  	s9 =	sadd.s32 $0xFFFFFEF7, lr;
	s5 =	simm.s32 $0xFFFFFFFF;
	p2 =	slt.u32 s8, $0xFFFFF086  }
0x1c: {  	p1 =	slt.u32 s9, $0xF7A;
	s5 =	simm.s32 @!p2 $0x0  }
0x1d: {  	s5 =	simm.s32 @p1 $0x1;
	p0 =	seq.s32 s7, s2  }
0x1e: {  	s7 =	smul.u32 @!p0 $0xF7A, s2;
	p2 =	seq.s32 @!p0 s5, $0x0  }
0x1f: {  	s9 =	smul.u32 $0xF7A, s1;
	s8 =	simm.s32 @!p0 $0x1BF5;
	p2 =	por !p2, p0  }
0x20: {  	[sflag:s8] =	ssyncset.s32 @!p0 $0xFFFFF086;
	s6 =	sadd.s32 @!p0 s3, s7;
	s7 =	simm.s32 @!p0 $0x108  }
0x21: {  	s3 =	sadd.s32 s3, s9;
	s6 =	sadd.s32 @!p0 $0x88, s6;
	s7 =	simm.s32 @p2 $0x1082  }
0x22: {  	[simem:s7], [sflag:s8] =	dma.local @!p0 [hbm:s6], $0xF7A  }
0x23: {  	s9 =	sor.u32 $0xD0000000, s2;
	s6 =	simm.s32 $0x108;
	_ =	swait.ge @!p0 [sflag:s8], $0x0  }
0x24: {  	s3 =	sadd.s32 $0x88, s3;
	s6 =	simm.s32 @!p1 $0x1082;
	[sflag:s4] =	ssyncset.s32 $0xFFFFF086  }
0x25: {  	[simem:s6], [sflag:s4] =	dma.local [hbm:s3], $0xF7A  }
0x26: {  	[smem:$0x3F9B] =	sst s1;
	(tag) =	ssettag s2;
	_ =	strace s9  }
0x27: {  	s1 =	sld [smem:$0x3FAB]  }
0x28: {  	s2 =	sld [smem:$0x3FAC]  }
0x29: {  	s4 =	sld [smem:$0x3FAE]  }
0x2a: {  	p0 =	seq.s32 s5, $0x0;
	s5 =	sld [smem:$0x3FAF]  }
0x2b: {  	s6 =	sld [smem:$0x3FB0]  }
0x2c: {  	s7 =	sld [smem:$0x3FB1]  }
0x2d: {  	s3 =	simm.s32 $0x108;
	s8 =	sld [smem:$0x3FB2]  }
0x2e: {  	s3 =	simm.s32 @!p0 $0x1082;
	s9 =	sld [smem:$0x3FB3]  }
0x2f: {  	lr =	sadd.s32 s0, s3;
	s0 =	sld [smem:$0x3FAA]  }
0x30: {  	s3 =	sld [smem:$0x3FAD]  }
0x31: {  	[smem:$0x3FB6] =	sst s10  }
0x32: {  	s10 =	sld [smem:$0x3FB4];
	_ =	sdelay $0x3  }
0x33: {  	p0 =	seq.s32 s10, $0x1;
	s10 =	sld [smem:$0x3FB6];
	_ =	sdelay $0x3  }
0x34: {  	[smem:$0x3FB6] =	sst s10  }
0x35: {  	s10 =	sld [smem:$0x3FB5];
	_ =	sdelay $0x3  }
0x36: {  	p1 =	seq.s32 s10, $0x1;
	s10 =	sld [smem:$0x3FB6];
	_ =	sdelay $0x3  }
0x37: {  	[smem:$0x3FB6] =	sst s10  }
0x38: {  	s10 =	sld [smem:$0x3FB7]  }
0x39: {  	_ = 	snop;
	(pc) =	sbr.ind lr, $3  }
0x3a: {  	_ = 	snop  }
0x3b: {  	_ = 	snop  }
0x3c: {  	p2 =	seq.s32 s10, $0x1;
	s10 =	sld [smem:$0x3FB6]  }
0x3d: {  	_ =	shalt  }
0x3e: {  	_ =	shalt  }
0x3f: {  	_ =	shalt  }
0x40: {  	_ =	shalt  }
0x41: {  	_ =	shalt  }
0x42: {  	_ =	shalt  }
0x43: {  	_ =	shalt  }
0x44: {  	_ =	shalt  }
0x45: {  	_ =	shalt  }
0x46: {  	_ =	shalt  }
0x47: {  	_ =	shalt  }
0x48: {  	_ =	shalt  }
0x49: {  	_ =	shalt  }
0x4a: {  	_ =	shalt  }
0x4b: {  	_ =	shalt  }
0x4c: {  	_ =	shalt  }
0x4d: {  	_ =	shalt  }
0x4e: {  	_ =	shalt  }
0x4f: {  	_ =	shalt  }
0x50: {  	_ =	shalt  }
0x51: {  	_ =	shalt  }
0x52: {  	_ =	shalt  }
0x53: {  	_ =	shalt  }
0x54: {  	_ =	shalt  }
0x55: {  	_ =	shalt  }
0x56: {  	_ =	shalt  }
0x57: {  	_ =	shalt  }
0x58: {  	_ =	shalt  }
0x59: {  	_ =	shalt  }
0x5a: {  	_ =	shalt  }
0x5b: {  	_ =	shalt  }
0x5c: {  	_ =	shalt  }
0x5d: {  	_ =	shalt  }
0x5e: {  	_ =	shalt  }
0x5f: {  	_ =	shalt  }
0x60: {  	_ =	shalt  }
0x61: {  	_ =	shalt  }
0x62: {  	_ =	shalt  }
0x63: {  	_ =	shalt  }
0x64: {  	_ =	shalt  }
0x65: {  	_ =	shalt  }
0x66: {  	_ =	shalt  }
0x67: {  	_ =	shalt  }
0x68: {  	_ =	shalt  }
0x69: {  	_ =	shalt  }
0x6a: {  	_ =	shalt  }
0x6b: {  	_ =	shalt  }
0x6c: {  	_ =	shalt  }
0x6d: {  	_ =	shalt  }
0x6e: {  	_ =	shalt  }
0x6f: {  	_ =	shalt  }
0x70: {  	_ =	shalt  }
0x71: {  	_ =	shalt  }
0x72: {  	_ =	shalt  }
0x73: {  	_ =	shalt  }
0x74: {  	_ =	shalt  }
0x75: {  	_ =	shalt  }
0x76: {  	_ =	shalt  }
0x77: {  	_ =	shalt  }
0x78: {  	_ =	shalt  }
0x79: {  	_ =	shalt  }
0x7a: {  	_ =	shalt  }
0x7b: {  	_ =	shalt  }
0x7c: {  	_ =	shalt  }
0x7d: {  	_ =	shalt  }
0x7e: {  	_ =	shalt  }
0x7f: {  	_ =	shalt  }
0x80: {  	_ =	shalt  }
0x81: {  	_ =	shalt  }
0x82: {  	_ =	shalt  }
0x83: {  	_ =	shalt  }
0x84: {  	_ =	shalt  }
0x85: {  	_ =	shalt  }
0x86: {  	_ =	shalt  }
0x87: {  	_ =	shalt  }
.Lfunc_end0:
.L_simem_size_0:
called_computation_lowered:
.L_overlay_start_0:
0x88: {  	s2 =	sld [smem:$0x3FD9]  }
0x89: {  	s3 =	sld [smem:$0x3FFE];
	_ =	sdelay $0x1  }
0x8a: {  	s1 =	srdreg.scid  }
0x8b: {  	s0 =	sand.u32 $0x1, s1  }
0x8c: {  	s17 =	sshll.u32 s0, $0xA;
	s2 =	sadd.s32 s3, s2  }
0x8d: {  	s2 =	sadd.s32 s2, s17  }
0x8e: {  	[smem:$0x3FC2] =	sst s2  }
0x8f: {  	_ = 	snop  }
0x90: {  	s2 =	sld [smem:$0x3FD0];
	(tm) =	ssettm $0x1  }
0x91: {  	s18 =	sld [smem:$0x3FFB];
	_ =	sdelay $0x3  }
0x92: {  	_ =	strace s18  }
0x93: {  	s3 =	sld [smem:$0x3FFC];
	_ =	sdelay $0x3  }
0x94: {  	_ =	strace s3  }
0x95: {  	s3 =	sld [smem:$0x3FFD];
	_ =	sdelay $0x3  }
0x96: {  	_ =	strace s3  }
0x97: {  	_ =	strace $0x8FFFFFFF  }
0x98: {  	s19 =	sld [smem:$0x3FDB];
	_ =	sdelay $0x1  }
0x99: {  	s4 =	simm.s32 $_scs_section_size  }
0x9a: {  	s5 =	simm.s32 $_size__tile_overlayer_lowered;
	s6 =	simm.s32 $_tile_overlayer_lowered  }
0x9b: {  	s22 =	simm.s32 $0x1BFF;
	s21 =	sshll.u32 s6, $0x1;
	s3 =	sadd.s32 s4, s19  }
0x9c: {  	s7 =	simm.s32 $0x0;
	s20 =	sshll.u32 s5, $0x1;
	s5 =	sadd.s32 s21, s3  }
0x9d: {  	[timem:s7], [sflag:s22] =	dma.local [hbm:s5], s20  }
0x9e: {  	_ =	swait.ge [sflag:s22], s20  }
0x9f: {  	s4 =	ssub.s32 $0x0, s20;
	[sflag:s22] =	ssyncset.done $0x0  }
0xa0: {  	[sflag:s22] =	ssyncadd.s32 s4;
	_ =	sdelay $0x1  }
0xa1: {  	s23 =	simm.s32 $0x1B8B  }
0xa2: {  	_ =	swait.ge [sflag:s23], $0x1  }
0xa3: {  	[sflag:s23] =	ssyncset.done $0x0  }
0xa4: {  	s25 =	simm.s32 $0x1B8E;
	s24 =	sld [smem:$0x3FFE];
	[sflag:s23] =	ssyncadd.s32 $0xFFFFFFFF  }
0xa5: {  	s26 =	simm.s32 $execute0_lowered;
	[smem:$0x3FD2] =	sst s25  }
0xa6: {  	s5 =	sshll.u32 s26, $0x1;
	_ =	strace $0x80000046;
	[dreg:$0x1] =	wrdreg $0xFFFFFFFF  }
0xa7: {  	s28 =	simm.s32 $_size_execute0_lowered;
	s3 =	sadd.s32 s3, s5;
	[dreg:$0x0] =	wrdreg $0x0  }
0xa8: {  	s5 =	sshll.u32 s28, $0x1;
	[dreg:$0x2] =	wrdreg s3  }
0xa9: {  	[dreg:$0x3] =	wrdreg s5  }
0xaa: {  	[dreg:$0x4] =	wrdreg $0xC0  }
0xab: {  	_ =	task [dreg:s7], $0x5FFFF  }
0xac: {  	[dreg:$0x1] =	wrdreg $0xFFFFFFFF  }
0xad: {  	[dreg:$0x0] =	wrdreg $0x60  }
0xae: {  	[dreg:$0x2] =	wrdreg s2  }
0xaf: {  	[dreg:$0x3] =	wrdreg s24  }
0xb0: {  	[dreg:$0x4] =	wrdreg $0x68000  }
0xb1: {  	[dreg:$0x5] =	wrdreg $0x9  }
0xb2: {  	_ =	task.clear_ibuf [dreg:s7], $0x6FFFF;
	_ =	strace $0x90000046  }
0xb3: {  	s29 =	simm.s32 $0x9;
	_ =	strace $0x80000048  }
0xb4: {  	_ =	swait.ge [sflag:s29], $0x1  }
0xb5: {  	[sflag:s29] =	ssyncadd.s32 $0xFFFFFFFF  }
0xb6: {  	_ =	strace $0x90000048  }
0xb7: {  	_ =	sfence  }
0xb8: {  	s30 =	sld [smem:$0x0];
	_ =	sdelay $0x2  }
0xb9: {  	s31 =	sshll.u32 s1, $0xD;
	s1 =	sshrl.u32 s1, $0x2  }
0xba: {  	s3 =	sand.u32 $0x4000, s31;
	s1 =	sadd.s32 s1, s30  }
0xbb: {  	s0 =	sor.u32 s3, s0;
	s1 =	sshll.u32 s1, $0x11  }
0xbc: {  	s0 =	sor.u32 s1, s0  }
0xbd: {  	s0 =	sadd.s32 $0x8F2B, s0  }
0xbe: {  	[sflag:s0] =	ssyncadd.remote.s32 $0x1  }
0xbf: {  	_ =	sfence.sel $0xFFFF  }
0xc0: {  	[dreg:$0x0] =	wrdreg $0xFFFFFFFF;
	(pc) =	sbr.abs _section_cstart, $3  }
0xc1: {  	[dreg:$0x1] =	wrdreg $0xFFFFFFFF  }
0xc2: {  	_ =	task.clear_ibuf [dreg:s7], $0x2FFFF;
	_ =	strace $0x9FFFFFFF  }
0xc3: {  	(tm) =	ssettm $0x7FFFFFFF  }
tec
execute0_lowered:
.L_overlay_start_1:
0x0: {  	(tag) =	ssettag $0x1  }
0x1: {  	s7 =	rddreg [dreg:$0x0]  }
0x2: {  	s5 =	rddreg [dreg:$0x1]  }
0x3: {  	s2 =	rddreg [dreg:$0x2];
	s0 =	stileid.u32  }
0x4: {  	s4 =	srdreg.scid;
	s6 =	smul.u32 $0x14000, s0  }
0x5: {  	s1 =	rddreg [dreg:$0x3];
	s3 =	simm.s32 $0x0;
	s11 =	smul.u32 $0x50000, s0  }
0x6: {  	s8 =	sand.u32 $0x1, s4;
	[smem:$0x7FF] =	sst s3;
	s12 =	smul.u32 $0x2800, s0  }
0x7: {  	s4 =	sadd.s32 $0x1E00, s5;
	s31 =	sshll.u32 s0, $0x6;
	s9 =	smul.u32 $0x140000, s8  }
0x8: {  	_ =	strace $0x80000047;
	s25 =	smul.u32 $0x28000, s8;
	s8 =	ssub.s32 $0x2, s8  }
0x9: {  	s24 =	sshrl.u32 s6, $0x3;
	s26 =	sshrl.u32 s8, $0x1;
	s28 =	sshrl.u32 s11, $0x2  }
0xa: {  	s11 =	simm.s32 $0x1;
	s10 =	sadd.s32 s24, s5;
	s6 =	sadd.s32 s6, s9  }
0xb: {  	s29 =	ssub.s32 s8, s26;
	s14 =	sadd.s32 s28, s2;
	s30 =	sadd.s32 s12, s25  }
0xc: {  	s12 =	simm.s32 $0x2800;
	s6 =	sshrl.u32 s6, $0x3;
	s9 =	sshrl.u32 s30, $0x3  }
0xd: {  	s13 =	sadd.s32 s6, s5;
	s5 =	sadd.s32 $0x2600, s10;
	s6 =	sor.u32 $0x1C01, s31  }
0xe: {  	s7 =	sadd.s32 s7, s9;
	s9 =	smax.u32 s29, $0x1;
	s10 =	sshrl.u32 s14, $0x3  }
0xf: {  	s14 =	simm.s32 $0x0;
	s8 =	sadd.s32 $0x2A600, s13;
	s13 =	simm.s32 $0x80  }
.LBB2_1:
0x10: {  	[spmem:s10], [sflag:s6] =	dma.local [hbm:s5], $0x2800  }
0x11: {  	_ =	swait.ge [sflag:s11], $0x2800  }
0x12: {  	[sflag:s11] =	ssyncset.done $0x0  }
0x13: {  	[sflag:s11] =	ssyncadd.s32 $0xFFFFD800  }
0x14: {  	[tilespmem:s12], [sflag:$0x1] =	stream.linear.gather [hbm4b:s4+s3], $0x4000, $0x38;
	[tilespmem:$0x1A800] =	vst v63  }
0x15: {  	_ =	swait.ge [sflag:s11], $0x4000  }
0x16: {  	[sflag:s11] =	ssyncset.done $0x0  }
0x17: {  	[sflag:s11] =	ssyncadd.s32 $0xFFFFC000  }
0x18: {  	[tilespmem:s3], [sflag:$0x1] =	stream.linear.gather [hbm4b:s7+s3], $0x2780, $0x38;
	[tilespmem:$0x1A800] =	vst v63  }
0x19: {  	_ =	swait.ge [sflag:s11], $0x2780  }
0x1a: {  	[sflag:s11] =	ssyncset.done $0x0  }
0x1b: {  	[sflag:s11] =	ssyncadd.s32 $0xFFFFD880  }
0x1c: {  	s15 =	simm.s32 $0x0;
	[bflag:$0x0] =	sbarrier.arrive $0xFFFF  }
0x1d: {  	[spmem:s2] =	stream.indirect.scatter.add.f32 [tilespmem:s12], [sflag:$0x1], $0x80, s15, s13, $0xb8;
	[tilespmem:$0x1A800] =	vst v63  }
0x1e: {  	_ =	swait.ge [sflag:s11], $0x4000  }
0x1f: {  	s15 =	simm.s32 $0x200;
	[sflag:s11] =	ssyncset.done $0x0  }
.LBB2_2:
0x20: {  	s16 =	sshra.s32 s15, $0x2;
	[sflag:s11] =	ssyncadd.s32 $0xFFFFC000;
	p0 =	sne.s32 s15, $0x9C00  }
0x21: {  	[spmem:s2] =	stream.indirect.scatter.add.f32 [tilespmem:s12], [sflag:$0x1], $0x80, s16, s13, $0xb8;
	[tilespmem:$0x1A800] =	vst v63  }
.Ltmp0:
0x22: {  	_ = 	snop;
	(pc) =	sbr.rel @p0 .LBB2_2-.Ltmp0, $4  }
0x23: {  	_ = 	snop  }
0x24: {  	s15 =	sadd.s32 $0x200, s15  }
0x25: {  	_ =	swait.ge [sflag:s11], $0x4000  }
0x26: {  	[sflag:s11] =	ssyncset.done $0x0  }
0x27: {  	s14 =	sadd.s32 $0x1, s14  }
0x28: {  	[sflag:s11] =	ssyncadd.s32 $0xFFFFC000;
	p0 =	sne.s32 s14, s9  }
.Ltmp1:
0x29: {  	[bflag:$0x0] =	sbarrier.arrive $0xFFFF;
	(pc) =	sbr.rel @p0 .LBB2_1-.Ltmp1, $4  }
0x2a: {  	[hbm:s8], [sflag:s6] =	dma.local [spmem:s10], $0x2800  }
0x2b: {  	_ =	swait.ge [sflag:s11], $0x2800  }
0x2c: {  	[sflag:s11] =	ssyncset.done $0x0  }
0x2d: {  	[sflag:s11] =	ssyncadd.s32 $0xFFFFD800  }
0x2e: {  	_ =	sfence.sel $0x180000  }
0x2f: {  	[bflag:$0x0] =	sbarrier.arrive $0xFFFF  }
0x30: {  	p0 =	sne.s32 s0, $0x0;
	_ =	strace $0x90000047  }
0x31: {  	s0 =	sadd.s32 @!p0 $0x100000, s1;
	[bflag:$0x2] =	sbarrier.arrive $0xFFFF  }
0x32: {  	[sflag:s0] =	ssyncadd.tile.s32 @!p0 $0x1;
	_ =	shalt  }
.Lfunc_end2:
_tile_overlayer_lowered:
.L_overlay_start_2:
0x33: {  	(tag) =	ssettag $0x2  }
0x34: {  	s0 =	rddreg [dreg:$0x0];
	s2 =	stileid.u32  }
0x35: {  	s1 =	rddreg [dreg:$0x1];
	p0 =	sne.s32 s2, $0x0  }
0x36: {  	s3 =	rddreg [dreg:$0x2];
	[bflag:$0x3] =	sbarrier.arrive $0xFFFF;
	s2 =	simm.s32 @!p0 $0x1C01  }
0x37: {  	[timem:s3], [sflag:s2] =	dma.local @!p0 [hbm:s0], s1  }
0x38: {  	s0 =	simm.s32 @!p0 $0x1  }
0x39: {  	_ =	swait.ge @!p0 [sflag:s0], s1  }
0x3a: {  	s1 =	ssub.s32 @!p0 $0x0, s1;
	[sflag:s0] =	ssyncset.done @!p0 $0x0  }
0x3b: {  	[sflag:s0] =	ssyncadd.s32 @!p0 s1  }
0x3c: {  	[bflag:$0x3] =	sbarrier.arrive $0xFFFF  }
0x3d: {  	_ =	shalt  }

</sc_bundles>
